<compile_context>
chip_gen: v7x
topology: tpu7x:2x2x1
jax: 0.10.2.dev20260603
libtpu: 0.0.44.dev20260713+nightly
codegen_flags: <defaults>
</compile_context>

<pallas_src>
import jax
import jax.numpy as jnp
from jax import lax
from jax.experimental import pallas as pl
from jax.experimental.pallas import tpu as pltpu
from jax.experimental.pallas import tpu_sc as plsc

H = W = 384
N_IMG = 4
C_CH = 96
M_PATCH = 64
PS = 16
SY = 18
SX = 32
PW = 18
NWORKERS = 32
TASKS_PER_W = (N_IMG * M_PATCH) // NWORKERS


def _axis_setup(off_splat, center_scalar_f32):
    ii = lax.convert_element_type(lax.iota(jnp.int32, 16), jnp.float32)
    coord = center_scalar_f32 - 8.0 + ii
    cn = 2.0 * (coord / 383.0) - 1.0
    g = cn + off_splat
    ic = ((g + 1.0) * 384.0 - 1.0) * 0.5
    ic = jnp.clip(ic, -1e4, 1e4)
    t0 = lax.convert_element_type(ic, jnp.int32)
    t0 = jnp.where(lax.convert_element_type(t0, jnp.float32) > ic, t0 - 1, t0)
    f0 = lax.convert_element_type(t0, jnp.float32)
    w1 = ic - f0
    w0 = 1.0 - w1
    a0 = w0 * jnp.where((t0 >= 0) & (t0 <= W - 1), 1.0, 0.0)
    a1 = w1 * jnp.where((t0 >= -1) & (t0 <= W - 2), 1.0, 0.0)
    c0 = jnp.clip(t0, 0, W - 1)
    c1 = jnp.clip(t0 + 1, 0, W - 1)
    return t0, c0, c1, a0, a1


def _sc_body(x_hbm, off_hbm, out_hbm, reg, prow, outb, offv, xit, axt):
    cid = lax.axis_index("c")
    sid = lax.axis_index("s")
    wid = sid * 2 + cid

    pltpu.sync_copy(off_hbm, offv)
    iota16 = lax.iota(jnp.int32, 16)
    zv16 = jnp.zeros((16,), jnp.int32)

    def task_body(k, _):
        t = wid * TASKS_PER_W + k
        n = lax.div(t, M_PATCH)
        m = lax.rem(t, M_PATCH)
        mh = lax.div(m, 8)
        mw = lax.rem(m, 8)

        def center(mk):
            mkf = lax.convert_element_type(mk + 2, jnp.float32)
            return mkf * jnp.float32(384.0 / 11.0)

        mv = jnp.full((16,), m, jnp.int32)
        off0 = plsc.load_gather(offv, [mv, zv16])
        off1 = plsc.load_gather(offv, [mv, zv16 + 1])

        x0i, x0c, x1c, ax0, ax1 = _axis_setup(off0, center(mh))
        xmin = jnp.min(x0i)
        xb = pl.multiple_of(
            jnp.clip(lax.bitwise_and(xmin, jnp.int32(-8)), 0, W - SX), 8
        )
        rel0 = jnp.clip(xmin - xb, 0, SX - PW)
        x0r = jnp.clip(x0c - xb, rel0, rel0 + PW - 1)
        x1r = jnp.clip(x1c - xb, rel0, rel0 + PW - 1)
        y0i, y0c, y1c, ay0, ay1 = _axis_setup(off1, center(mw))
        ymin = jnp.min(y0i)
        yb = jnp.clip(ymin, 0, H - SY)
        y0r = jnp.clip(y0c - yb, 0, SY - 1)
        y1r = jnp.clip(y1c - yb, 0, SY - 1)

        xit[0, :] = (x0r - rel0) * 16
        xit[1, :] = (x1r - rel0) * 16
        axt[0, :] = ax0
        axt[1, :] = ax1

        @plsc.parallel_loop(0, 16, unroll=4)
        def table_body(i):
            fi = jnp.full((16,), i, jnp.int32)
            xit[2 + i, :] = plsc.load_gather(xit.at[0], [fi]) + iota16
            xit[18 + i, :] = plsc.load_gather(xit.at[1], [fi]) + iota16
            axt[2 + i, :] = plsc.load_gather(axt.at[0], [fi])
            axt[18 + i, :] = plsc.load_gather(axt.at[1], [fi])

        pltpu.sync_copy(
            x_hbm.at[pl.ds(n * C_CH, C_CH), pl.ds(yb, SY), pl.ds(xb, SX)], reg
        )

        @plsc.parallel_loop(0, C_CH * PW, unroll=6)
        def p_body(q):
            c = lax.div(q, PW)
            dx = lax.rem(q, PW)
            cv = jnp.full((16,), c, jnp.int32)
            colv = jnp.full((16,), rel0 + dx, jnp.int32)
            g0 = plsc.load_gather(reg, [cv, y0r, colv])
            g1 = plsc.load_gather(reg, [cv, y1r, colv])
            prow[pl.ds(q * 16, 16)] = ay0 * g0 + ay1 * g1

        def i_body(i, _):
            t0 = xit[2 + i, :]
            t1 = xit[18 + i, :]
            w0 = axt[2 + i, :]
            w1 = axt[18 + i, :]
            ib = i * 16

            @plsc.parallel_loop(0, C_CH, unroll=8)
            def o_body(c):
                pb = jnp.full((16,), c * (PW * 16), jnp.int32)
                p0 = plsc.load_gather(prow, [t0 + pb])
                p1 = plsc.load_gather(prow, [t1 + pb])
                outb[c, pl.ds(ib, 16)] = w0 * p0 + w1 * p1

            return 0

        lax.fori_loop(0, 16, i_body, 0, unroll=1)

        pltpu.sync_copy(outb, out_hbm.at[n, m])
        return 0

    lax.fori_loop(0, TASKS_PER_W, task_body, 0, unroll=1)


def kernel(x, offset):
    x3 = x.reshape(N_IMG * C_CH, H, W)

    mesh = plsc.VectorSubcoreMesh(
        core_axis_name="c", subcore_axis_name="s", num_cores=2, num_subcores=16
    )
    run = pl.kernel(
        _sc_body,
        out_type=jax.ShapeDtypeStruct((N_IMG, M_PATCH, C_CH, PS * PS), jnp.float32),
        mesh=mesh,
        compiler_params=pltpu.CompilerParams(
            use_tc_tiling_on_sc=False,
            needs_layout_passes=False,
            disable_bounds_checks=True,
            disable_semaphore_checks=True,
            skip_device_barrier=True,
        ),
        scratch_types=[
            pltpu.VMEM((C_CH, SY, SX), jnp.float32),
            pltpu.VMEM((C_CH * PW * 16,), jnp.float32),
            pltpu.VMEM((C_CH, PS * PS), jnp.float32),
            pltpu.VMEM((M_PATCH, 2), jnp.float32),
            pltpu.VMEM((34, 16), jnp.int32),
            pltpu.VMEM((34, 16), jnp.float32),
        ],
    )
    out = run(x3, offset)
    return out.reshape(N_IMG, M_PATCH, C_CH, PS, PS)

# --- scband reference (transcript-rebuilt; emitter-appended) ---
"""Pipeline reference for scband-deformable-patch-sampler2d-61375082659938 (READ-ONLY COPY).

The authoritative reference and input builder live on the scoring server;
editing this copy changes nothing except your own understanding.
"""

import jax, jax.numpy as jnp
import numpy as np

PATCH_SIZE = 16
NPH = 8
NPW = 8


def setup_inputs(seed: int = 0) -> dict:
    key = jax.random.key(seed)
    k1, k2 = jax.random.split(key)
    x = jax.random.normal(k1, (4, 96, 384, 384), dtype=jnp.float32)
    offset = jax.random.normal(k2, (NPH * NPW, 2), dtype=jnp.float32) * 0.001
    return {"x": x, "offset": offset}


def _make_grid(H, W):
    ps = PATCH_SIZE
    hs = jnp.linspace(0.0, float(H), NPH + 4)[2:-2]
    ws = jnp.linspace(0.0, float(W), NPW + 4)[2:-2]
    # torch.cartesian_prod ordering: first arg varies slowest
    ch, cw = jnp.meshgrid(hs, ws, indexing='ij')
    centers = jnp.stack([ch.reshape(-1), cw.reshape(-1)], axis=-1)  # (M, 2)
    M = centers.shape[0]
    rng = jnp.arange(ps, dtype=jnp.float32)
    # h_coords = arange(Hc - ps//2, Hc + ps//2) == Hc - ps//2 + arange(ps)
    hc = centers[:, 0, None] - (ps // 2) + rng[None, :]  # (M, ps)
    wc = centers[:, 1, None] - (ps // 2) + rng[None, :]  # (M, ps)
    # cartesian_prod(h, w).view(ps, ps, 2): grid[i, j] = (h_i, w_j)
    g0 = jnp.broadcast_to(hc[:, :, None], (M, ps, ps))
    g1 = jnp.broadcast_to(wc[:, None, :], (M, ps, ps))
    g0 = 2.0 * (g0 / (H - 1)) - 1.0
    g1 = 2.0 * (g1 / (W - 1)) - 1.0
    return jnp.stack([g0, g1], axis=-1)  # (M, ps, ps, 2)


def _grid_sample_one(img, grid):
    # Faithful F.grid_sample(mode='bilinear', padding_mode='zeros', align_corners=False)
    # img: (C, H, W); grid: (M, ph, pw, 2) with grid[...,0]=x (width), grid[...,1]=y (height)
    C, H, W = img.shape
    gx = grid[..., 0]
    gy = grid[..., 1]
    ix = ((gx + 1.0) * W - 1.0) / 2.0
    iy = ((gy + 1.0) * H - 1.0) / 2.0
    x0 = jnp.floor(ix)
    y0 = jnp.floor(iy)
    x1 = x0 + 1.0
    y1 = y0 + 1.0
    wx1 = ix - x0
    wx0 = 1.0 - wx1
    wy1 = iy - y0
    wy0 = 1.0 - wy1

    def corner(xc, yc, w):
        valid = ((xc >= 0) & (xc <= W - 1) & (yc >= 0) & (yc <= H - 1)).astype(img.dtype)
        xi = jnp.clip(xc, 0, W - 1).astype(jnp.int32)
        yi = jnp.clip(yc, 0, H - 1).astype(jnp.int32)
        v = img[:, yi, xi]  # (C, M, ph, pw) gather
        return v * (w * valid)[None, ...]

    out = (corner(x0, y0, wx0 * wy0) + corner(x1, y0, wx1 * wy0)
           + corner(x0, y1, wx0 * wy1) + corner(x1, y1, wx1 * wy1))
    return jnp.transpose(out, (1, 0, 2, 3))  # (M, C, ph, pw)


def reference(x, offset):
    N, C, H, W = x.shape
    grid = _make_grid(H, W)  # (M, ps, ps, 2)
    grid = grid + offset[:, None, None, :]
    patches = jax.vmap(lambda xi: _grid_sample_one(xi, grid))(x)
    return patches  # (N, M, C, ps, ps)

if __name__ == "__main__":
    import jax
    _d = setup_inputs()
    print(jax.jit(kernel)(*tuple(_d.values())))

</pallas_src>

<mosaic_0001>
#map = affine_map<(d0, d1) -> (0, 0, 0)>
#map1 = affine_map<(d0, d1) -> (0, 0)>
#map2 = affine_map<(d0, d1) -> (0, 0, 0, 0)>
module attributes {stable_mosaic.version = 14 : i64} {
  func.func @_sc_body(%arg0: i32, %arg1: i32, %arg2: memref<384x384x384xf32, #tpu.memory_space<hbm>>, %arg3: memref<64x2xf32, #tpu.memory_space<hbm>>, %arg4: memref<4x64x96x256xf32, #tpu.memory_space<hbm>>, %arg5: memref<96x18x32xf32, #tpu.memory_space<vmem>>, %arg6: memref<27648xf32, #tpu.memory_space<vmem>>, %arg7: memref<96x256xf32, #tpu.memory_space<vmem>>, %arg8: memref<64x2xf32, #tpu.memory_space<vmem>>, %arg9: memref<34x16xi32, #tpu.memory_space<vmem>>, %arg10: memref<34x16xf32, #tpu.memory_space<vmem>>) attributes {dimension_semantics = [#tpu.dimension_semantics<core_parallel>, #tpu.dimension_semantics<subcore_parallel>], iteration_bounds = array<i64: 2, 16>, scalar_prefetch = 0 : i64, scratch_operands = 6 : i64, tpu.core_type = #tpu.core_type<sc_vector_subcore>, window_params = [{transform_indices = #map}, {transform_indices = #map1}, {transform_indices = #map2}]} {
    %mul3A = arith.constant 2 : i32
    %mul3A_0 = arith.muli %arg1, %mul3A : i32
    %add3A = arith.addi %mul3A_0, %arg0 : i32
    "tpu.region"() ({
      %run_scoped3A = tpu.sem_alloc : memref<!tpu.dma_semaphore, #tpu.memory_space<semaphore_mem>>
      tpu.enqueue_dma source(%arg3 : memref<64x2xf32, #tpu.memory_space<hbm>>) target(%arg8 : memref<64x2xf32, #tpu.memory_space<vmem>>) target_semaphore(%run_scoped3A : memref<!tpu.dma_semaphore, #tpu.memory_space<semaphore_mem>>)
      tpu.wait_dma2 semaphore(%run_scoped3A : memref<!tpu.dma_semaphore, #tpu.memory_space<semaphore_mem>>) src(%arg3 : memref<64x2xf32, #tpu.memory_space<hbm>>) dst(%arg8 : memref<64x2xf32, #tpu.memory_space<vmem>>)
      tpu.yield
    }) : () -> ()
    %iota3A = tpu.iota {dimensions = array<i32: 0>} : vector<16xi32>
    %broadcast_in_dim3A = arith.constant 0 : i32
    %broadcast_in_dim3A_1 = vector.broadcast %broadcast_in_dim3A : i32 to vector<16xi32>
    %scan3A = arith.constant 0 : i32
    %scan3A_2 = arith.constant 0 : i32
    %scan3A_3 = arith.constant 8 : i32
    %scan3A_4 = arith.addi %scan3A_2, %scan3A_3 : i32
    %scan3A_5 = arith.constant 1 : i32
    %scan3A_6 = scf.for %scan3A_8 = %scan3A_2 to %scan3A_4 step %scan3A_5 iter_args(%scan3A_9 = %scan3A) -> (i32)  : i32 {
      %mul3A_10 = arith.constant 8 : i32
      %mul3A_11 = arith.muli %add3A, %mul3A_10 : i32
      %add3A_12 = arith.addi %mul3A_11, %scan3A_8 : i32
      %div3A = arith.constant 64 : i32
      %div3A_13 = arith.divsi %add3A_12, %div3A : i32
      %rem3A = arith.constant 64 : i32
      %rem3A_14 = arith.remsi %add3A_12, %rem3A : i32
      %div3A_15 = arith.constant 8 : i32
      %div3A_16 = arith.divsi %rem3A_14, %div3A_15 : i32
      %rem3A_17 = arith.constant 8 : i32
      %rem3A_18 = arith.remsi %rem3A_14, %rem3A_17 : i32
      %broadcast_in_dim3A_19 = vector.broadcast %rem3A_14 : i32 to vector<16xi32>
      %gather3A = tpu.vector_load_idx %arg8[%broadcast_in_dim3A_19, %broadcast_in_dim3A_1] : memref<64x2xf32, #tpu.memory_space<vmem>>[vector<16xi32>, vector<16xi32>], vector<16xf32>,
      %add3A_20 = arith.constant 1 : i32
      %add3A_21 = vector.broadcast %add3A_20 : i32 to vector<16xi32>
      %add3A_22 = arith.addi %broadcast_in_dim3A_1, %add3A_21 : vector<16xi32>
      %gather3A_23 = tpu.vector_load_idx %arg8[%broadcast_in_dim3A_19, %add3A_22] : memref<64x2xf32, #tpu.memory_space<vmem>>[vector<16xi32>, vector<16xi32>], vector<16xf32>,
      %add3A_24 = arith.constant 2 : i32
      %add3A_25 = arith.addi %div3A_16, %add3A_24 : i32
      %convert_element_type3A = arith.sitofp %add3A_25 : i32 to f32
      %mul3A_26 = arith.constant 34.9090919 : f32
      %mul3A_27 = arith.mulf %convert_element_type3A, %mul3A_26 : f32
      %iota3A_28 = tpu.iota {dimensions = array<i32: 0>} : vector<16xi32>
      %convert_element_type3A_29 = arith.sitofp %iota3A_28 : vector<16xi32> to vector<16xf32>
      %sub3A = arith.constant 8.000000e+00 : f32
      %sub3A_30 = arith.subf %mul3A_27, %sub3A : f32
      %add3A_31 = vector.broadcast %sub3A_30 : f32 to vector<16xf32>
      %add3A_32 = arith.addf %add3A_31, %convert_element_type3A_29 : vector<16xf32>
      %div3A_33 = arith.constant 3.830000e+02 : f32
      %div3A_34 = vector.broadcast %div3A_33 : f32 to vector<16xf32>
      %div3A_35 = arith.divf %add3A_32, %div3A_34 : vector<16xf32>
      %mul3A_36 = arith.constant 2.000000e+00 : f32
      %mul3A_37 = vector.broadcast %mul3A_36 : f32 to vector<16xf32>
      %mul3A_38 = arith.mulf %mul3A_37, %div3A_35 : vector<16xf32>
      %sub3A_39 = arith.constant 1.000000e+00 : f32
      %sub3A_40 = vector.broadcast %sub3A_39 : f32 to vector<16xf32>
      %sub3A_41 = arith.subf %mul3A_38, %sub3A_40 : vector<16xf32>
      %add3A_42 = arith.addf %sub3A_41, %gather3A : vector<16xf32>
      %add3A_43 = arith.constant 1.000000e+00 : f32
      %add3A_44 = vector.broadcast %add3A_43 : f32 to vector<16xf32>
      %add3A_45 = arith.addf %add3A_42, %add3A_44 : vector<16xf32>
      %mul3A_46 = arith.constant 3.840000e+02 : f32
      %mul3A_47 = vector.broadcast %mul3A_46 : f32 to vector<16xf32>
      %mul3A_48 = arith.mulf %add3A_45, %mul3A_47 : vector<16xf32>
      %sub3A_49 = arith.constant 1.000000e+00 : f32
      %sub3A_50 = vector.broadcast %sub3A_49 : f32 to vector<16xf32>
      %sub3A_51 = arith.subf %mul3A_48, %sub3A_50 : vector<16xf32>
      %mul3A_52 = arith.constant 5.000000e-01 : f32
      %mul3A_53 = vector.broadcast %mul3A_52 : f32 to vector<16xf32>
      %mul3A_54 = arith.mulf %sub3A_51, %mul3A_53 : vector<16xf32>
      %jit3A = arith.constant -1.000000e+04 : f32
      %jit3A_55 = arith.constant 1.000000e+04 : f32
      %max3A = vector.broadcast %jit3A : f32 to vector<16xf32>
      %max3A_56 = arith.maximumf %max3A, %mul3A_54 : vector<16xf32>
      %min3A = vector.broadcast %jit3A_55 : f32 to vector<16xf32>
      %min3A_57 = arith.minimumf %min3A, %max3A_56 : vector<16xf32>
      %convert_element_type3A_58 = arith.fptosi %min3A_57 : vector<16xf32> to vector<16xi32>
      %convert_element_type3A_59 = arith.sitofp %convert_element_type3A_58 : vector<16xi32> to vector<16xf32>
      %gt3A = arith.cmpf ogt, %convert_element_type3A_59, %min3A_57 : vector<16xf32>
      %sub3A_60 = arith.constant 1 : i32
      %sub3A_61 = vector.broadcast %sub3A_60 : i32 to vector<16xi32>
      %sub3A_62 = arith.subi %convert_element_type3A_58, %sub3A_61 : vector<16xi32>
      %select_n3A = arith.select %gt3A, %sub3A_62, %convert_element_type3A_58 : vector<16xi1>, vector<16xi32>
      %convert_element_type3A_63 = arith.sitofp %select_n3A : vector<16xi32> to vector<16xf32>
      %sub3A_64 = arith.subf %min3A_57, %convert_element_type3A_63 : vector<16xf32>
      %sub3A_65 = arith.constant 1.000000e+00 : f32
      %sub3A_66 = vector.broadcast %sub3A_65 : f32 to vector<16xf32>
      %sub3A_67 = arith.subf %sub3A_66, %sub3A_64 : vector<16xf32>
      %ge3A = arith.constant 0 : i32
      %ge3A_68 = vector.broadcast %ge3A : i32 to vector<16xi32>
      %ge3A_69 = arith.cmpi sge, %select_n3A, %ge3A_68 : vector<16xi32>
      %le3A = arith.constant 383 : i32
      %le3A_70 = vector.broadcast %le3A : i32 to vector<16xi32>
      %le3A_71 = arith.cmpi sle, %select_n3A, %le3A_70 : vector<16xi32>
      %and3A = arith.andi %ge3A_69, %le3A_71 : vector<16xi1>
      %jit3A_72 = arith.constant 1.000000e+00 : f32
      %jit3A_73 = arith.constant 0.000000e+00 : f32
      %broadcast_in_dim3A_74 = vector.broadcast %jit3A_72 : f32 to vector<16xf32>
      %broadcast_in_dim3A_75 = vector.broadcast %jit3A_73 : f32 to vector<16xf32>
      %select_n3A_76 = arith.select %and3A, %broadcast_in_dim3A_74, %broadcast_in_dim3A_75 : vector<16xi1>, vector<16xf32>
      %mul3A_77 = arith.mulf %sub3A_67, %select_n3A_76 : vector<16xf32>
      %ge3A_78 = arith.constant -1 : i32
      %ge3A_79 = vector.broadcast %ge3A_78 : i32 to vector<16xi32>
      %ge3A_80 = arith.cmpi sge, %select_n3A, %ge3A_79 : vector<16xi32>
      %le3A_81 = arith.constant 382 : i32
      %le3A_82 = vector.broadcast %le3A_81 : i32 to vector<16xi32>
      %le3A_83 = arith.cmpi sle, %select_n3A, %le3A_82 : vector<16xi32>
      %and3A_84 = arith.andi %ge3A_80, %le3A_83 : vector<16xi1>
      %jit3A_85 = arith.constant 1.000000e+00 : f32
      %jit3A_86 = arith.constant 0.000000e+00 : f32
      %broadcast_in_dim3A_87 = vector.broadcast %jit3A_85 : f32 to vector<16xf32>
      %broadcast_in_dim3A_88 = vector.broadcast %jit3A_86 : f32 to vector<16xf32>
      %select_n3A_89 = arith.select %and3A_84, %broadcast_in_dim3A_87, %broadcast_in_dim3A_88 : vector<16xi1>, vector<16xf32>
      %mul3A_90 = arith.mulf %sub3A_64, %select_n3A_89 : vector<16xf32>
      %jit3A_91 = arith.constant 0 : i32
      %jit3A_92 = arith.constant 383 : i32
      %max3A_93 = vector.broadcast %jit3A_91 : i32 to vector<16xi32>
      %max3A_94 = arith.maxsi %max3A_93, %select_n3A : vector<16xi32>
      %min3A_95 = vector.broadcast %jit3A_92 : i32 to vector<16xi32>
      %min3A_96 = arith.minsi %min3A_95, %max3A_94 : vector<16xi32>
      %add3A_97 = arith.constant 1 : i32
      %add3A_98 = vector.broadcast %add3A_97 : i32 to vector<16xi32>
      %add3A_99 = arith.addi %select_n3A, %add3A_98 : vector<16xi32>
      %jit3A_100 = arith.constant 0 : i32
      %jit3A_101 = arith.constant 383 : i32
      %max3A_102 = vector.broadcast %jit3A_100 : i32 to vector<16xi32>
      %max3A_103 = arith.maxsi %max3A_102, %add3A_99 : vector<16xi32>
      %min3A_104 = vector.broadcast %jit3A_101 : i32 to vector<16xi32>
      %min3A_105 = arith.minsi %min3A_104, %max3A_103 : vector<16xi32>
      %reduce_min3A = arith.constant true
      %reduce_min3A_106 = vector.broadcast %reduce_min3A : i1 to vector<16xi1>
      %reduce_min3A_107 = arith.constant -2147483648 : i32
      %reduce_min3A_108 = vector.broadcast %reduce_min3A_107 : i32 to vector<16xi32>
      %reduce_min3A_109 = arith.xori %select_n3A, %reduce_min3A_108 : vector<16xi32>
      %reduce_min3A_110 = tpu.scan <min>, %reduce_min3A_109 masked %reduce_min3A_106 : vector<16xi32>, vector<16xi1> -> vector<16xi32>
      %reduce_min3A_111 = arith.xori %reduce_min3A_110, %reduce_min3A_108 : vector<16xi32>
      %reduce_min3A_112 = vector.extract %reduce_min3A_111[15] : i32 from vector<16xi32>
      %and3A_113 = arith.constant -8 : i32
      %and3A_114 = arith.andi %reduce_min3A_112, %and3A_113 : i32
      %jit3A_115 = arith.constant 0 : i32
      %jit3A_116 = arith.constant 352 : i32
      %max3A_117 = arith.maxsi %jit3A_115, %and3A_114 : i32
      %min3A_118 = arith.minsi %jit3A_116, %max3A_117 : i32
      %multiple_of3A = tpu.assume_multiple %min3A_118, 8 : i32
      %sub3A_119 = arith.subi %reduce_min3A_112, %multiple_of3A : i32
      %jit3A_120 = arith.constant 0 : i32
      %jit3A_121 = arith.constant 14 : i32
      %max3A_122 = arith.maxsi %jit3A_120, %sub3A_119 : i32
      %min3A_123 = arith.minsi %jit3A_121, %max3A_122 : i32
      %sub3A_124 = vector.broadcast %multiple_of3A : i32 to vector<16xi32>
      %sub3A_125 = arith.subi %min3A_96, %sub3A_124 : vector<16xi32>
      %add3A_126 = arith.constant 18 : i32
      %add3A_127 = arith.addi %min3A_123, %add3A_126 : i32
      %sub3A_128 = arith.constant 1 : i32
      %sub3A_129 = arith.subi %add3A_127, %sub3A_128 : i32
      %max3A_130 = vector.broadcast %min3A_123 : i32 to vector<16xi32>
      %max3A_131 = arith.maxsi %max3A_130, %sub3A_125 : vector<16xi32>
      %min3A_132 = vector.broadcast %sub3A_129 : i32 to vector<16xi32>
      %min3A_133 = arith.minsi %min3A_132, %max3A_131 : vector<16xi32>
      %sub3A_134 = vector.broadcast %multiple_of3A : i32 to vector<16xi32>
      %sub3A_135 = arith.subi %min3A_105, %sub3A_134 : vector<16xi32>
      %add3A_136 = arith.constant 18 : i32
      %add3A_137 = arith.addi %min3A_123, %add3A_136 : i32
      %sub3A_138 = arith.constant 1 : i32
      %sub3A_139 = arith.subi %add3A_137, %sub3A_138 : i32
      %max3A_140 = vector.broadcast %min3A_123 : i32 to vector<16xi32>
      %max3A_141 = arith.maxsi %max3A_140, %sub3A_135 : vector<16xi32>
      %min3A_142 = vector.broadcast %sub3A_139 : i32 to vector<16xi32>
      %min3A_143 = arith.minsi %min3A_142, %max3A_141 : vector<16xi32>
      %add3A_144 = arith.constant 2 : i32
      %add3A_145 = arith.addi %rem3A_18, %add3A_144 : i32
      %convert_element_type3A_146 = arith.sitofp %add3A_145 : i32 to f32
      %mul3A_147 = arith.constant 34.9090919 : f32
      %mul3A_148 = arith.mulf %convert_element_type3A_146, %mul3A_147 : f32
      %iota3A_149 = tpu.iota {dimensions = array<i32: 0>} : vector<16xi32>
      %convert_element_type3A_150 = arith.sitofp %iota3A_149 : vector<16xi32> to vector<16xf32>
      %sub3A_151 = arith.constant 8.000000e+00 : f32
      %sub3A_152 = arith.subf %mul3A_148, %sub3A_151 : f32
      %add3A_153 = vector.broadcast %sub3A_152 : f32 to vector<16xf32>
      %add3A_154 = arith.addf %add3A_153, %convert_element_type3A_150 : vector<16xf32>
      %div3A_155 = arith.constant 3.830000e+02 : f32
      %div3A_156 = vector.broadcast %div3A_155 : f32 to vector<16xf32>
      %div3A_157 = arith.divf %add3A_154, %div3A_156 : vector<16xf32>
      %mul3A_158 = arith.constant 2.000000e+00 : f32
      %mul3A_159 = vector.broadcast %mul3A_158 : f32 to vector<16xf32>
      %mul3A_160 = arith.mulf %mul3A_159, %div3A_157 : vector<16xf32>
      %sub3A_161 = arith.constant 1.000000e+00 : f32
      %sub3A_162 = vector.broadcast %sub3A_161 : f32 to vector<16xf32>
      %sub3A_163 = arith.subf %mul3A_160, %sub3A_162 : vector<16xf32>
      %add3A_164 = arith.addf %sub3A_163, %gather3A_23 : vector<16xf32>
      %add3A_165 = arith.constant 1.000000e+00 : f32
      %add3A_166 = vector.broadcast %add3A_165 : f32 to vector<16xf32>
      %add3A_167 = arith.addf %add3A_164, %add3A_166 : vector<16xf32>
      %mul3A_168 = arith.constant 3.840000e+02 : f32
      %mul3A_169 = vector.broadcast %mul3A_168 : f32 to vector<16xf32>
      %mul3A_170 = arith.mulf %add3A_167, %mul3A_169 : vector<16xf32>
      %sub3A_171 = arith.constant 1.000000e+00 : f32
      %sub3A_172 = vector.broadcast %sub3A_171 : f32 to vector<16xf32>
      %sub3A_173 = arith.subf %mul3A_170, %sub3A_172 : vector<16xf32>
      %mul3A_174 = arith.constant 5.000000e-01 : f32
      %mul3A_175 = vector.broadcast %mul3A_174 : f32 to vector<16xf32>
      %mul3A_176 = arith.mulf %sub3A_173, %mul3A_175 : vector<16xf32>
      %jit3A_177 = arith.constant -1.000000e+04 : f32
      %jit3A_178 = arith.constant 1.000000e+04 : f32
      %max3A_179 = vector.broadcast %jit3A_177 : f32 to vector<16xf32>
      %max3A_180 = arith.maximumf %max3A_179, %mul3A_176 : vector<16xf32>
      %min3A_181 = vector.broadcast %jit3A_178 : f32 to vector<16xf32>
      %min3A_182 = arith.minimumf %min3A_181, %max3A_180 : vector<16xf32>
      %convert_element_type3A_183 = arith.fptosi %min3A_182 : vector<16xf32> to vector<16xi32>
      %convert_element_type3A_184 = arith.sitofp %convert_element_type3A_183 : vector<16xi32> to vector<16xf32>
      %gt3A_185 = arith.cmpf ogt, %convert_element_type3A_184, %min3A_182 : vector<16xf32>
      %sub3A_186 = arith.constant 1 : i32
      %sub3A_187 = vector.broadcast %sub3A_186 : i32 to vector<16xi32>
      %sub3A_188 = arith.subi %convert_element_type3A_183, %sub3A_187 : vector<16xi32>
      %select_n3A_189 = arith.select %gt3A_185, %sub3A_188, %convert_element_type3A_183 : vector<16xi1>, vector<16xi32>
      %convert_element_type3A_190 = arith.sitofp %select_n3A_189 : vector<16xi32> to vector<16xf32>
      %sub3A_191 = arith.subf %min3A_182, %convert_element_type3A_190 : vector<16xf32>
      %sub3A_192 = arith.constant 1.000000e+00 : f32
      %sub3A_193 = vector.broadcast %sub3A_192 : f32 to vector<16xf32>
      %sub3A_194 = arith.subf %sub3A_193, %sub3A_191 : vector<16xf32>
      %ge3A_195 = arith.constant 0 : i32
      %ge3A_196 = vector.broadcast %ge3A_195 : i32 to vector<16xi32>
      %ge3A_197 = arith.cmpi sge, %select_n3A_189, %ge3A_196 : vector<16xi32>
      %le3A_198 = arith.constant 383 : i32
      %le3A_199 = vector.broadcast %le3A_198 : i32 to vector<16xi32>
      %le3A_200 = arith.cmpi sle, %select_n3A_189, %le3A_199 : vector<16xi32>
      %and3A_201 = arith.andi %ge3A_197, %le3A_200 : vector<16xi1>
      %jit3A_202 = arith.constant 1.000000e+00 : f32
      %jit3A_203 = arith.constant 0.000000e+00 : f32
      %broadcast_in_dim3A_204 = vector.broadcast %jit3A_202 : f32 to vector<16xf32>
      %broadcast_in_dim3A_205 = vector.broadcast %jit3A_203 : f32 to vector<16xf32>
      %select_n3A_206 = arith.select %and3A_201, %broadcast_in_dim3A_204, %broadcast_in_dim3A_205 : vector<16xi1>, vector<16xf32>
      %mul3A_207 = arith.mulf %sub3A_194, %select_n3A_206 : vector<16xf32>
      %ge3A_208 = arith.constant -1 : i32
      %ge3A_209 = vector.broadcast %ge3A_208 : i32 to vector<16xi32>
      %ge3A_210 = arith.cmpi sge, %select_n3A_189, %ge3A_209 : vector<16xi32>
      %le3A_211 = arith.constant 382 : i32
      %le3A_212 = vector.broadcast %le3A_211 : i32 to vector<16xi32>
      %le3A_213 = arith.cmpi sle, %select_n3A_189, %le3A_212 : vector<16xi32>
      %and3A_214 = arith.andi %ge3A_210, %le3A_213 : vector<16xi1>
      %jit3A_215 = arith.constant 1.000000e+00 : f32
      %jit3A_216 = arith.constant 0.000000e+00 : f32
      %broadcast_in_dim3A_217 = vector.broadcast %jit3A_215 : f32 to vector<16xf32>
      %broadcast_in_dim3A_218 = vector.broadcast %jit3A_216 : f32 to vector<16xf32>
      %select_n3A_219 = arith.select %and3A_214, %broadcast_in_dim3A_217, %broadcast_in_dim3A_218 : vector<16xi1>, vector<16xf32>
      %mul3A_220 = arith.mulf %sub3A_191, %select_n3A_219 : vector<16xf32>
      %jit3A_221 = arith.constant 0 : i32
      %jit3A_222 = arith.constant 383 : i32
      %max3A_223 = vector.broadcast %jit3A_221 : i32 to vector<16xi32>
      %max3A_224 = arith.maxsi %max3A_223, %select_n3A_189 : vector<16xi32>
      %min3A_225 = vector.broadcast %jit3A_222 : i32 to vector<16xi32>
      %min3A_226 = arith.minsi %min3A_225, %max3A_224 : vector<16xi32>
      %add3A_227 = arith.constant 1 : i32
      %add3A_228 = vector.broadcast %add3A_227 : i32 to vector<16xi32>
      %add3A_229 = arith.addi %select_n3A_189, %add3A_228 : vector<16xi32>
      %jit3A_230 = arith.constant 0 : i32
      %jit3A_231 = arith.constant 383 : i32
      %max3A_232 = vector.broadcast %jit3A_230 : i32 to vector<16xi32>
      %max3A_233 = arith.maxsi %max3A_232, %add3A_229 : vector<16xi32>
      %min3A_234 = vector.broadcast %jit3A_231 : i32 to vector<16xi32>
      %min3A_235 = arith.minsi %min3A_234, %max3A_233 : vector<16xi32>
      %reduce_min3A_236 = arith.constant true
      %reduce_min3A_237 = vector.broadcast %reduce_min3A_236 : i1 to vector<16xi1>
      %reduce_min3A_238 = arith.constant -2147483648 : i32
      %reduce_min3A_239 = vector.broadcast %reduce_min3A_238 : i32 to vector<16xi32>
      %reduce_min3A_240 = arith.xori %select_n3A_189, %reduce_min3A_239 : vector<16xi32>
      %reduce_min3A_241 = tpu.scan <min>, %reduce_min3A_240 masked %reduce_min3A_237 : vector<16xi32>, vector<16xi1> -> vector<16xi32>
      %reduce_min3A_242 = arith.xori %reduce_min3A_241, %reduce_min3A_239 : vector<16xi32>
      %reduce_min3A_243 = vector.extract %reduce_min3A_242[15] : i32 from vector<16xi32>
      %jit3A_244 = arith.constant 0 : i32
      %jit3A_245 = arith.constant 366 : i32
      %max3A_246 = arith.maxsi %jit3A_244, %reduce_min3A_243 : i32
      %min3A_247 = arith.minsi %jit3A_245, %max3A_246 : i32
      %sub3A_248 = vector.broadcast %min3A_247 : i32 to vector<16xi32>
      %sub3A_249 = arith.subi %min3A_226, %sub3A_248 : vector<16xi32>
      %jit3A_250 = arith.constant 0 : i32
      %jit3A_251 = arith.constant 17 : i32
      %max3A_252 = vector.broadcast %jit3A_250 : i32 to vector<16xi32>
      %max3A_253 = arith.maxsi %max3A_252, %sub3A_249 : vector<16xi32>
      %min3A_254 = vector.broadcast %jit3A_251 : i32 to vector<16xi32>
      %min3A_255 = arith.minsi %min3A_254, %max3A_253 : vector<16xi32>
      %sub3A_256 = vector.broadcast %min3A_247 : i32 to vector<16xi32>
      %sub3A_257 = arith.subi %min3A_235, %sub3A_256 : vector<16xi32>
      %jit3A_258 = arith.constant 0 : i32
      %jit3A_259 = arith.constant 17 : i32
      %max3A_260 = vector.broadcast %jit3A_258 : i32 to vector<16xi32>
      %max3A_261 = arith.maxsi %max3A_260, %sub3A_257 : vector<16xi32>
      %min3A_262 = vector.broadcast %jit3A_259 : i32 to vector<16xi32>
      %min3A_263 = arith.minsi %min3A_262, %max3A_261 : vector<16xi32>
      %sub3A_264 = vector.broadcast %min3A_123 : i32 to vector<16xi32>
      %sub3A_265 = arith.subi %min3A_133, %sub3A_264 : vector<16xi32>
      %mul3A_266 = arith.constant 16 : i32
      %mul3A_267 = vector.broadcast %mul3A_266 : i32 to vector<16xi32>
      %mul3A_268 = arith.muli %sub3A_265, %mul3A_267 : vector<16xi32>
      %swap3A = arith.constant 0 : i32
      %swap3A_269 = arith.index_cast %swap3A : i32 to index
      %swap3A_270 = arith.constant 0 : index
      %swap3A_271 = tpu.vector_load %arg9[%swap3A_269, %swap3A_270] {strides = array<i32>} : memref<34x16xi32, #tpu.memory_space<vmem>>, vector<16xi32>,
      tpu.vector_store %arg9[%swap3A_269, %swap3A_270], %mul3A_268 {strides = array<i32>} : memref<34x16xi32, #tpu.memory_space<vmem>>, vector<16xi32>,
      %sub3A_272 = vector.broadcast %min3A_123 : i32 to vector<16xi32>
      %sub3A_273 = arith.subi %min3A_143, %sub3A_272 : vector<16xi32>
      %mul3A_274 = arith.constant 16 : i32
      %mul3A_275 = vector.broadcast %mul3A_274 : i32 to vector<16xi32>
      %mul3A_276 = arith.muli %sub3A_273, %mul3A_275 : vector<16xi32>
      %swap3A_277 = arith.constant 1 : i32
      %swap3A_278 = arith.index_cast %swap3A_277 : i32 to index
      %swap3A_279 = arith.constant 0 : index
      %swap3A_280 = tpu.vector_load %arg9[%swap3A_278, %swap3A_279] {strides = array<i32>} : memref<34x16xi32, #tpu.memory_space<vmem>>, vector<16xi32>,
      tpu.vector_store %arg9[%swap3A_278, %swap3A_279], %mul3A_276 {strides = array<i32>} : memref<34x16xi32, #tpu.memory_space<vmem>>, vector<16xi32>,
      %swap3A_281 = arith.constant 0 : i32
      %swap3A_282 = arith.index_cast %swap3A_281 : i32 to index
      %swap3A_283 = arith.constant 0 : index
      %swap3A_284 = tpu.vector_load %arg10[%swap3A_282, %swap3A_283] {strides = array<i32>} : memref<34x16xf32, #tpu.memory_space<vmem>>, vector<16xf32>,
      tpu.vector_store %arg10[%swap3A_282, %swap3A_283], %mul3A_77 {strides = array<i32>} : memref<34x16xf32, #tpu.memory_space<vmem>>, vector<16xf32>,
      %swap3A_285 = arith.constant 1 : i32
      %swap3A_286 = arith.index_cast %swap3A_285 : i32 to index
      %swap3A_287 = arith.constant 0 : index
      %swap3A_288 = tpu.vector_load %arg10[%swap3A_286, %swap3A_287] {strides = array<i32>} : memref<34x16xf32, #tpu.memory_space<vmem>>, vector<16xf32>,
      tpu.vector_store %arg10[%swap3A_286, %swap3A_287], %mul3A_90 {strides = array<i32>} : memref<34x16xf32, #tpu.memory_space<vmem>>, vector<16xf32>,
      %parallel_loop3A = arith.constant 0 : i32
      %parallel_loop3A_289 = arith.constant 16 : i32
      %parallel_loop3A_290 = arith.constant 1 : i32
      scf.for %parallel_loop3A_304 = %parallel_loop3A to %parallel_loop3A_289 step %parallel_loop3A_290  : i32 {
        %parallel_loop3A_305 = vector.broadcast %parallel_loop3A_304 : i32 to vector<16xi32>
        %parallel_loop3A_306 = arith.constant 0 : i32
        %parallel_loop3A_307 = arith.constant 0 : i32
        %parallel_loop3A_308 = tpu.memref_slice %arg9[%parallel_loop3A_306, %parallel_loop3A_307] : memref<34x16xi32, #tpu.memory_space<vmem>> -> memref<1x16xi32, #tpu.memory_space<vmem>>
        %parallel_loop3A_309 = tpu.memref_squeeze %parallel_loop3A_308 : memref<1x16xi32, #tpu.memory_space<vmem>> -> memref<16xi32, #tpu.memory_space<vmem>>
        %parallel_loop3A_310 = tpu.vector_load_idx %parallel_loop3A_309[%parallel_loop3A_305] : memref<16xi32, #tpu.memory_space<vmem>>[vector<16xi32>], vector<16xi32>,
        %parallel_loop3A_311 = arith.addi %parallel_loop3A_310, %iota3A : vector<16xi32>
        %parallel_loop3A_312 = arith.constant 2 : i32
        %parallel_loop3A_313 = arith.addi %parallel_loop3A_312, %parallel_loop3A_304 : i32
        %parallel_loop3A_314 = arith.index_cast %parallel_loop3A_313 : i32 to index
        %parallel_loop3A_315 = arith.constant 0 : index
        %parallel_loop3A_316 = tpu.vector_load %arg9[%parallel_loop3A_314, %parallel_loop3A_315] {strides = array<i32>} : memref<34x16xi32, #tpu.memory_space<vmem>>, vector<16xi32>,
        tpu.vector_store %arg9[%parallel_loop3A_314, %parallel_loop3A_315], %parallel_loop3A_311 {strides = array<i32>} : memref<34x16xi32, #tpu.memory_space<vmem>>, vector<16xi32>,
        %parallel_loop3A_317 = arith.constant 1 : i32
        %parallel_loop3A_318 = arith.constant 0 : i32
        %parallel_loop3A_319 = tpu.memref_slice %arg9[%parallel_loop3A_317, %parallel_loop3A_318] : memref<34x16xi32, #tpu.memory_space<vmem>> -> memref<1x16xi32, #tpu.memory_space<vmem>>
        %parallel_loop3A_320 = tpu.memref_squeeze %parallel_loop3A_319 : memref<1x16xi32, #tpu.memory_space<vmem>> -> memref<16xi32, #tpu.memory_space<vmem>>
        %parallel_loop3A_321 = tpu.vector_load_idx %parallel_loop3A_320[%parallel_loop3A_305] : memref<16xi32, #tpu.memory_space<vmem>>[vector<16xi32>], vector<16xi32>,
        %parallel_loop3A_322 = arith.addi %parallel_loop3A_321, %iota3A : vector<16xi32>
        %parallel_loop3A_323 = arith.constant 18 : i32
        %parallel_loop3A_324 = arith.addi %parallel_loop3A_323, %parallel_loop3A_304 : i32
        %parallel_loop3A_325 = arith.index_cast %parallel_loop3A_324 : i32 to index
        %parallel_loop3A_326 = arith.constant 0 : index
        %parallel_loop3A_327 = tpu.vector_load %arg9[%parallel_loop3A_325, %parallel_loop3A_326] {strides = array<i32>} : memref<34x16xi32, #tpu.memory_space<vmem>>, vector<16xi32>,
        tpu.vector_store %arg9[%parallel_loop3A_325, %parallel_loop3A_326], %parallel_loop3A_322 {strides = array<i32>} : memref<34x16xi32, #tpu.memory_space<vmem>>, vector<16xi32>,
        %parallel_loop3A_328 = arith.constant 0 : i32
        %parallel_loop3A_329 = arith.constant 0 : i32
        %parallel_loop3A_330 = tpu.memref_slice %arg10[%parallel_loop3A_328, %parallel_loop3A_329] : memref<34x16xf32, #tpu.memory_space<vmem>> -> memref<1x16xf32, #tpu.memory_space<vmem>>
        %parallel_loop3A_331 = tpu.memref_squeeze %parallel_loop3A_330 : memref<1x16xf32, #tpu.memory_space<vmem>> -> memref<16xf32, #tpu.memory_space<vmem>>
        %parallel_loop3A_332 = tpu.vector_load_idx %parallel_loop3A_331[%parallel_loop3A_305] : memref<16xf32, #tpu.memory_space<vmem>>[vector<16xi32>], vector<16xf32>,
        %parallel_loop3A_333 = arith.constant 2 : i32
        %parallel_loop3A_334 = arith.addi %parallel_loop3A_333, %parallel_loop3A_304 : i32
        %parallel_loop3A_335 = arith.index_cast %parallel_loop3A_334 : i32 to index
        %parallel_loop3A_336 = arith.constant 0 : index
        %parallel_loop3A_337 = tpu.vector_load %arg10[%parallel_loop3A_335, %parallel_loop3A_336] {strides = array<i32>} : memref<34x16xf32, #tpu.memory_space<vmem>>, vector<16xf32>,
        tpu.vector_store %arg10[%parallel_loop3A_335, %parallel_loop3A_336], %parallel_loop3A_332 {strides = array<i32>} : memref<34x16xf32, #tpu.memory_space<vmem>>, vector<16xf32>,
        %parallel_loop3A_338 = arith.constant 1 : i32
        %parallel_loop3A_339 = arith.constant 0 : i32
        %parallel_loop3A_340 = tpu.memref_slice %arg10[%parallel_loop3A_338, %parallel_loop3A_339] : memref<34x16xf32, #tpu.memory_space<vmem>> -> memref<1x16xf32, #tpu.memory_space<vmem>>
        %parallel_loop3A_341 = tpu.memref_squeeze %parallel_loop3A_340 : memref<1x16xf32, #tpu.memory_space<vmem>> -> memref<16xf32, #tpu.memory_space<vmem>>
        %parallel_loop3A_342 = tpu.vector_load_idx %parallel_loop3A_341[%parallel_loop3A_305] : memref<16xf32, #tpu.memory_space<vmem>>[vector<16xi32>], vector<16xf32>,
        %parallel_loop3A_343 = arith.constant 18 : i32
        %parallel_loop3A_344 = arith.addi %parallel_loop3A_343, %parallel_loop3A_304 : i32
        %parallel_loop3A_345 = arith.index_cast %parallel_loop3A_344 : i32 to index
        %parallel_loop3A_346 = arith.constant 0 : index
        %parallel_loop3A_347 = tpu.vector_load %arg10[%parallel_loop3A_345, %parallel_loop3A_346] {strides = array<i32>} : memref<34x16xf32, #tpu.memory_space<vmem>>, vector<16xf32>,
        tpu.vector_store %arg10[%parallel_loop3A_345, %parallel_loop3A_346], %parallel_loop3A_342 {strides = array<i32>} : memref<34x16xf32, #tpu.memory_space<vmem>>, vector<16xf32>,
      } {sc.loop_unroll_factor = 4 : i64, sc.parallel_access}
      %mul3A_291 = arith.constant 96 : i32
      %mul3A_292 = arith.muli %div3A_13, %mul3A_291 : i32
      "tpu.region"() ({
        %run_scoped3A = tpu.sem_alloc : memref<!tpu.dma_semaphore, #tpu.memory_space<semaphore_mem>>
        %dma_start3A = tpu.memref_slice %arg2[%mul3A_292, %min3A_247, %multiple_of3A] : memref<384x384x384xf32, #tpu.memory_space<hbm>> -> memref<96x18x32xf32, #tpu.memory_space<hbm>>
        %dma_start3A_304 = tpu.memref_slice %arg2[%mul3A_292, %min3A_247, %multiple_of3A] : memref<384x384x384xf32, #tpu.memory_space<hbm>> -> memref<96x18x32xf32, #tpu.memory_space<hbm>>
        tpu.enqueue_dma source(%dma_start3A_304 : memref<96x18x32xf32, #tpu.memory_space<hbm>>) target(%arg5 : memref<96x18x32xf32, #tpu.memory_space<vmem>>) target_semaphore(%run_scoped3A : memref<!tpu.dma_semaphore, #tpu.memory_space<semaphore_mem>>)
        %dma_wait3A = tpu.memref_slice %arg2[%mul3A_292, %min3A_247, %multiple_of3A] : memref<384x384x384xf32, #tpu.memory_space<hbm>> -> memref<96x18x32xf32, #tpu.memory_space<hbm>>
        %dma_wait3A_305 = tpu.memref_slice %arg2[%mul3A_292, %min3A_247, %multiple_of3A] : memref<384x384x384xf32, #tpu.memory_space<hbm>> -> memref<96x18x32xf32, #tpu.memory_space<hbm>>
        tpu.wait_dma2 semaphore(%run_scoped3A : memref<!tpu.dma_semaphore, #tpu.memory_space<semaphore_mem>>) src(%dma_wait3A_305 : memref<96x18x32xf32, #tpu.memory_space<hbm>>) dst(%arg5 : memref<96x18x32xf32, #tpu.memory_space<vmem>>)
        tpu.yield
      }) : () -> ()
      %parallel_loop3A_293 = arith.constant 0 : i32
      %parallel_loop3A_294 = arith.constant 1728 : i32
      %parallel_loop3A_295 = arith.constant 1 : i32
      scf.for %parallel_loop3A_304 = %parallel_loop3A_293 to %parallel_loop3A_294 step %parallel_loop3A_295  : i32 {
        %parallel_loop3A_305 = arith.constant 18 : i32
        %parallel_loop3A_306 = arith.divsi %parallel_loop3A_304, %parallel_loop3A_305 : i32
        %parallel_loop3A_307 = arith.constant 18 : i32
        %parallel_loop3A_308 = arith.remsi %parallel_loop3A_304, %parallel_loop3A_307 : i32
        %parallel_loop3A_309 = vector.broadcast %parallel_loop3A_306 : i32 to vector<16xi32>
        %parallel_loop3A_310 = arith.addi %min3A_123, %parallel_loop3A_308 : i32
        %parallel_loop3A_311 = vector.broadcast %parallel_loop3A_310 : i32 to vector<16xi32>
        %parallel_loop3A_312 = tpu.vector_load_idx %arg5[%parallel_loop3A_309, %min3A_255, %parallel_loop3A_311] : memref<96x18x32xf32, #tpu.memory_space<vmem>>[vector<16xi32>, vector<16xi32>, vector<16xi32>], vector<16xf32>,
        %parallel_loop3A_313 = tpu.vector_load_idx %arg5[%parallel_loop3A_309, %min3A_263, %parallel_loop3A_311] : memref<96x18x32xf32, #tpu.memory_space<vmem>>[vector<16xi32>, vector<16xi32>, vector<16xi32>], vector<16xf32>,
        %parallel_loop3A_314 = arith.mulf %mul3A_207, %parallel_loop3A_312 : vector<16xf32>
        %parallel_loop3A_315 = arith.mulf %mul3A_220, %parallel_loop3A_313 : vector<16xf32>
        %parallel_loop3A_316 = arith.addf %parallel_loop3A_314, %parallel_loop3A_315 : vector<16xf32>
        %parallel_loop3A_317 = arith.constant 16 : i32
        %parallel_loop3A_318 = arith.muli %parallel_loop3A_304, %parallel_loop3A_317 : i32
        %parallel_loop3A_319 = arith.index_cast %parallel_loop3A_318 : i32 to index
        %parallel_loop3A_320 = tpu.vector_load %arg6[%parallel_loop3A_319] {strides = array<i32>} : memref<27648xf32, #tpu.memory_space<vmem>>, vector<16xf32>,
        tpu.vector_store %arg6[%parallel_loop3A_319], %parallel_loop3A_316 {strides = array<i32>} : memref<27648xf32, #tpu.memory_space<vmem>>, vector<16xf32>,
      } {sc.loop_unroll_factor = 6 : i64, sc.parallel_access}
      %scan3A_296 = arith.constant 0 : i32
      %scan3A_297 = arith.constant 0 : i32
      %scan3A_298 = arith.constant 16 : i32
      %scan3A_299 = arith.addi %scan3A_297, %scan3A_298 : i32
      %scan3A_300 = arith.constant 1 : i32
      %scan3A_301 = scf.for %scan3A_304 = %scan3A_297 to %scan3A_299 step %scan3A_300 iter_args(%scan3A_305 = %scan3A_296) -> (i32)  : i32 {
        %add3A_306 = arith.constant 2 : i32
        %add3A_307 = arith.addi %add3A_306, %scan3A_304 : i32
        %get3A = arith.index_cast %add3A_307 : i32 to index
        %get3A_308 = arith.constant 0 : index
        %get3A_309 = tpu.vector_load %arg9[%get3A, %get3A_308] {strides = array<i32>} : memref<34x16xi32, #tpu.memory_space<vmem>>, vector<16xi32>,
        %add3A_310 = arith.constant 18 : i32
        %add3A_311 = arith.addi %add3A_310, %scan3A_304 : i32
        %get3A_312 = arith.index_cast %add3A_311 : i32 to index
        %get3A_313 = arith.constant 0 : index
        %get3A_314 = tpu.vector_load %arg9[%get3A_312, %get3A_313] {strides = array<i32>} : memref<34x16xi32, #tpu.memory_space<vmem>>, vector<16xi32>,
        %add3A_315 = arith.constant 2 : i32
        %add3A_316 = arith.addi %add3A_315, %scan3A_304 : i32
        %get3A_317 = arith.index_cast %add3A_316 : i32 to index
        %get3A_318 = arith.constant 0 : index
        %get3A_319 = tpu.vector_load %arg10[%get3A_317, %get3A_318] {strides = array<i32>} : memref<34x16xf32, #tpu.memory_space<vmem>>, vector<16xf32>,
        %add3A_320 = arith.constant 18 : i32
        %add3A_321 = arith.addi %add3A_320, %scan3A_304 : i32
        %get3A_322 = arith.index_cast %add3A_321 : i32 to index
        %get3A_323 = arith.constant 0 : index
        %get3A_324 = tpu.vector_load %arg10[%get3A_322, %get3A_323] {strides = array<i32>} : memref<34x16xf32, #tpu.memory_space<vmem>>, vector<16xf32>,
        %mul3A_325 = arith.constant 16 : i32
        %mul3A_326 = arith.muli %scan3A_304, %mul3A_325 : i32
        %parallel_loop3A_327 = arith.constant 0 : i32
        %parallel_loop3A_328 = arith.constant 96 : i32
        %parallel_loop3A_329 = arith.constant 1 : i32
        scf.for %parallel_loop3A_331 = %parallel_loop3A_327 to %parallel_loop3A_328 step %parallel_loop3A_329  : i32 {
          %parallel_loop3A_332 = arith.constant 288 : i32
          %parallel_loop3A_333 = arith.muli %parallel_loop3A_331, %parallel_loop3A_332 : i32
          %parallel_loop3A_334 = vector.broadcast %parallel_loop3A_333 : i32 to vector<16xi32>
          %parallel_loop3A_335 = arith.addi %get3A_309, %parallel_loop3A_334 : vector<16xi32>
          %parallel_loop3A_336 = tpu.vector_load_idx %arg6[%parallel_loop3A_335] : memref<27648xf32, #tpu.memory_space<vmem>>[vector<16xi32>], vector<16xf32>,
          %parallel_loop3A_337 = arith.addi %get3A_314, %parallel_loop3A_334 : vector<16xi32>
          %parallel_loop3A_338 = tpu.vector_load_idx %arg6[%parallel_loop3A_337] : memref<27648xf32, #tpu.memory_space<vmem>>[vector<16xi32>], vector<16xf32>,
          %parallel_loop3A_339 = arith.mulf %get3A_319, %parallel_loop3A_336 : vector<16xf32>
          %parallel_loop3A_340 = arith.mulf %get3A_324, %parallel_loop3A_338 : vector<16xf32>
          %parallel_loop3A_341 = arith.addf %parallel_loop3A_339, %parallel_loop3A_340 : vector<16xf32>
          %parallel_loop3A_342 = arith.index_cast %parallel_loop3A_331 : i32 to index
          %parallel_loop3A_343 = arith.index_cast %mul3A_326 : i32 to index
          %parallel_loop3A_344 = tpu.vector_load %arg7[%parallel_loop3A_342, %parallel_loop3A_343] {strides = array<i32>} : memref<96x256xf32, #tpu.memory_space<vmem>>, vector<16xf32>,
          tpu.vector_store %arg7[%parallel_loop3A_342, %parallel_loop3A_343], %parallel_loop3A_341 {strides = array<i32>} : memref<96x256xf32, #tpu.memory_space<vmem>>, vector<16xf32>,
        } {sc.loop_unroll_factor = 8 : i64, sc.parallel_access}
        %scan3A_330 = arith.constant 0 : i32
        scf.yield %scan3A_330 : i32
      }
      %scan3A_302 = arith.constant 16 : i32
      "tpu.region"() ({
        %run_scoped3A = tpu.sem_alloc : memref<!tpu.dma_semaphore, #tpu.memory_space<semaphore_mem>>
        %dma_start3A = arith.constant 0 : i32
        %dma_start3A_304 = arith.constant 0 : i32
        %dma_start3A_305 = tpu.memref_slice %arg4[%div3A_13, %rem3A_14, %dma_start3A, %dma_start3A_304] : memref<4x64x96x256xf32, #tpu.memory_space<hbm>> -> memref<1x1x96x256xf32, #tpu.memory_space<hbm>>
        %dma_start3A_306 = tpu.memref_squeeze %dma_start3A_305 : memref<1x1x96x256xf32, #tpu.memory_space<hbm>> -> memref<96x256xf32, #tpu.memory_space<hbm>>
        %dma_start3A_307 = arith.constant 0 : i32
        %dma_start3A_308 = arith.constant 0 : i32
        %dma_start3A_309 = tpu.memref_slice %arg4[%div3A_13, %rem3A_14, %dma_start3A_307, %dma_start3A_308] : memref<4x64x96x256xf32, #tpu.memory_space<hbm>> -> memref<1x1x96x256xf32, #tpu.memory_space<hbm>>
        %dma_start3A_310 = tpu.memref_squeeze %dma_start3A_309 : memref<1x1x96x256xf32, #tpu.memory_space<hbm>> -> memref<96x256xf32, #tpu.memory_space<hbm>>
        tpu.enqueue_dma source(%arg7 : memref<96x256xf32, #tpu.memory_space<vmem>>) target(%dma_start3A_310 : memref<96x256xf32, #tpu.memory_space<hbm>>) target_semaphore(%run_scoped3A : memref<!tpu.dma_semaphore, #tpu.memory_space<semaphore_mem>>)
        %dma_wait3A = arith.constant 0 : i32
        %dma_wait3A_311 = arith.constant 0 : i32
        %dma_wait3A_312 = tpu.memref_slice %arg4[%div3A_13, %rem3A_14, %dma_wait3A, %dma_wait3A_311] : memref<4x64x96x256xf32, #tpu.memory_space<hbm>> -> memref<1x1x96x256xf32, #tpu.memory_space<hbm>>
        %dma_wait3A_313 = tpu.memref_squeeze %dma_wait3A_312 : memref<1x1x96x256xf32, #tpu.memory_space<hbm>> -> memref<96x256xf32, #tpu.memory_space<hbm>>
        %dma_wait3A_314 = arith.constant 0 : i32
        %dma_wait3A_315 = arith.constant 0 : i32
        %dma_wait3A_316 = tpu.memref_slice %arg4[%div3A_13, %rem3A_14, %dma_wait3A_314, %dma_wait3A_315] : memref<4x64x96x256xf32, #tpu.memory_space<hbm>> -> memref<1x1x96x256xf32, #tpu.memory_space<hbm>>
        %dma_wait3A_317 = tpu.memref_squeeze %dma_wait3A_316 : memref<1x1x96x256xf32, #tpu.memory_space<hbm>> -> memref<96x256xf32, #tpu.memory_space<hbm>>
        tpu.wait_dma2 semaphore(%run_scoped3A : memref<!tpu.dma_semaphore, #tpu.memory_space<semaphore_mem>>) src(%arg7 : memref<96x256xf32, #tpu.memory_space<vmem>>) dst(%dma_wait3A_317 : memref<96x256xf32, #tpu.memory_space<hbm>>)
        tpu.yield
      }) : () -> ()
      %scan3A_303 = arith.constant 0 : i32
      scf.yield %scan3A_303 : i32
    }
    %scan3A_7 = arith.constant 8 : i32
    return
  }
}

</mosaic_0001>

<sc_bundles>
// kernel: kernel.3.cloned.1.call-start
scs
__scs_entry_jumppad:
0x0: {  	(pc) =	sbr.rel $0x88, $3  }
0x1: {  	(tag) =	ssettag $0x0;
	lr =	simm.s32 $0x1  }
0x2: {  	[smem:$0x3F9F] =	sst lr;
	_ =	strace $0xD0000000  }
0x3: {  	_ = 	snop  }
0x4: {  	_ = 	snop  }
0x5: {  	_ = 	snop  }
0x6: {  	_ = 	snop  }
0x7: {  	_ = 	snop  }
__scs_overlays_trampoline_lowered:
0x8: {  	[smem:$0x3FAE] =	sst s0  }
0x9: {  	[smem:$0x3FAF] =	sst s1  }
0xa: {  	[smem:$0x3FB0] =	sst s2  }
0xb: {  	[smem:$0x3FB1] =	sst s3  }
0xc: {  	[smem:$0x3FB2] =	sst s4  }
0xd: {  	[smem:$0x3FB3] =	sst s5  }
0xe: {  	[smem:$0x3FB4] =	sst s6  }
0xf: {  	[smem:$0x3FB5] =	sst s7  }
0x10: {  	[smem:$0x3FB6] =	sst s8  }
0x11: {  	[smem:$0x3FB7] =	sst s9;
	s0 =	simm.s32 @!p0 $0x0  }
0x12: {  	s1 =	sld [smem:$0x3F9D];
	s0 =	simm.s32 @p0 $0x1  }
0x13: {  	[smem:$0x3FB8] =	sst s0;
	s0 =	simm.s32 @!p1 $0x0  }
0x14: {  	s2 =	sld [smem:$0x3F9C];
	s0 =	simm.s32 @p1 $0x1  }
0x15: {  	[smem:$0x3FB9] =	sst s0;
	s0 =	simm.s32 @!p2 $0x0  }
0x16: {  	s3 =	sld [smem:$0x3FDB];
	s0 =	simm.s32 @p2 $0x1  }
0x17: {  	s4 =	simm.s32 $0x1BF5;
	[smem:$0x3FBB] =	sst s0  }
0x18: {  	s0 =	sld [smem:$0x3F9E];
	_ =	swait.ge [sflag:s4], $0x0  }
0x19: {  	s7 =	sld [smem:$0x3F9F]  }
0x1a: {  	s8 =	sadd.s32 $0xFFFFE003, lr  }
0x1b: {  	s9 =	sadd.s32 $0xFFFFFEF7, lr;
	s5 =	simm.s32 $0xFFFFFFFF;
	p2 =	slt.u32 s8, $0xFFFFF086  }
0x1c: {  	p1 =	slt.u32 s9, $0xF7A;
	s5 =	simm.s32 @!p2 $0x0  }
0x1d: {  	s5 =	simm.s32 @p1 $0x1;
	p0 =	seq.s32 s7, s2  }
0x1e: {  	s7 =	smul.u32 @!p0 $0xF7A, s2;
	p2 =	seq.s32 @!p0 s5, $0x0  }
0x1f: {  	s9 =	smul.u32 $0xF7A, s1;
	s8 =	simm.s32 @!p0 $0x1BF5;
	p2 =	por !p2, p0  }
0x20: {  	[sflag:s8] =	ssyncset.s32 @!p0 $0xFFFFF086;
	s6 =	sadd.s32 @!p0 s3, s7;
	s7 =	simm.s32 @!p0 $0x108  }
0x21: {  	s3 =	sadd.s32 s3, s9;
	s6 =	sadd.s32 @!p0 $0x88, s6;
	s7 =	simm.s32 @p2 $0x1082  }
0x22: {  	[simem:s7], [sflag:s8] =	dma.local @!p0 [hbm:s6], $0xF7A  }
0x23: {  	s9 =	sor.u32 $0xD0000000, s2;
	s6 =	simm.s32 $0x108;
	_ =	swait.ge @!p0 [sflag:s8], $0x0  }
0x24: {  	s3 =	sadd.s32 $0x88, s3;
	s6 =	simm.s32 @!p1 $0x1082;
	[sflag:s4] =	ssyncset.s32 $0xFFFFF086  }
0x25: {  	[simem:s6], [sflag:s4] =	dma.local [hbm:s3], $0xF7A  }
0x26: {  	[smem:$0x3F9F] =	sst s1;
	(tag) =	ssettag s2;
	_ =	strace s9  }
0x27: {  	s1 =	sld [smem:$0x3FAF]  }
0x28: {  	s2 =	sld [smem:$0x3FB0]  }
0x29: {  	s4 =	sld [smem:$0x3FB2]  }
0x2a: {  	p0 =	seq.s32 s5, $0x0;
	s5 =	sld [smem:$0x3FB3]  }
0x2b: {  	s6 =	sld [smem:$0x3FB4]  }
0x2c: {  	s7 =	sld [smem:$0x3FB5]  }
0x2d: {  	s3 =	simm.s32 $0x108;
	s8 =	sld [smem:$0x3FB6]  }
0x2e: {  	s3 =	simm.s32 @!p0 $0x1082;
	s9 =	sld [smem:$0x3FB7]  }
0x2f: {  	lr =	sadd.s32 s0, s3;
	s0 =	sld [smem:$0x3FAE]  }
0x30: {  	s3 =	sld [smem:$0x3FB1]  }
0x31: {  	[smem:$0x3FBA] =	sst s10  }
0x32: {  	s10 =	sld [smem:$0x3FB8];
	_ =	sdelay $0x3  }
0x33: {  	p0 =	seq.s32 s10, $0x1;
	s10 =	sld [smem:$0x3FBA];
	_ =	sdelay $0x3  }
0x34: {  	[smem:$0x3FBA] =	sst s10  }
0x35: {  	s10 =	sld [smem:$0x3FB9];
	_ =	sdelay $0x3  }
0x36: {  	p1 =	seq.s32 s10, $0x1;
	s10 =	sld [smem:$0x3FBA];
	_ =	sdelay $0x3  }
0x37: {  	[smem:$0x3FBA] =	sst s10  }
0x38: {  	s10 =	sld [smem:$0x3FBB]  }
0x39: {  	_ = 	snop;
	(pc) =	sbr.ind lr, $3  }
0x3a: {  	_ = 	snop  }
0x3b: {  	_ = 	snop  }
0x3c: {  	p2 =	seq.s32 s10, $0x1;
	s10 =	sld [smem:$0x3FBA]  }
0x3d: {  	_ =	shalt  }
0x3e: {  	_ =	shalt  }
0x3f: {  	_ =	shalt  }
0x40: {  	_ =	shalt  }
0x41: {  	_ =	shalt  }
0x42: {  	_ =	shalt  }
0x43: {  	_ =	shalt  }
0x44: {  	_ =	shalt  }
0x45: {  	_ =	shalt  }
0x46: {  	_ =	shalt  }
0x47: {  	_ =	shalt  }
0x48: {  	_ =	shalt  }
0x49: {  	_ =	shalt  }
0x4a: {  	_ =	shalt  }
0x4b: {  	_ =	shalt  }
0x4c: {  	_ =	shalt  }
0x4d: {  	_ =	shalt  }
0x4e: {  	_ =	shalt  }
0x4f: {  	_ =	shalt  }
0x50: {  	_ =	shalt  }
0x51: {  	_ =	shalt  }
0x52: {  	_ =	shalt  }
0x53: {  	_ =	shalt  }
0x54: {  	_ =	shalt  }
0x55: {  	_ =	shalt  }
0x56: {  	_ =	shalt  }
0x57: {  	_ =	shalt  }
0x58: {  	_ =	shalt  }
0x59: {  	_ =	shalt  }
0x5a: {  	_ =	shalt  }
0x5b: {  	_ =	shalt  }
0x5c: {  	_ =	shalt  }
0x5d: {  	_ =	shalt  }
0x5e: {  	_ =	shalt  }
0x5f: {  	_ =	shalt  }
0x60: {  	_ =	shalt  }
0x61: {  	_ =	shalt  }
0x62: {  	_ =	shalt  }
0x63: {  	_ =	shalt  }
0x64: {  	_ =	shalt  }
0x65: {  	_ =	shalt  }
0x66: {  	_ =	shalt  }
0x67: {  	_ =	shalt  }
0x68: {  	_ =	shalt  }
0x69: {  	_ =	shalt  }
0x6a: {  	_ =	shalt  }
0x6b: {  	_ =	shalt  }
0x6c: {  	_ =	shalt  }
0x6d: {  	_ =	shalt  }
0x6e: {  	_ =	shalt  }
0x6f: {  	_ =	shalt  }
0x70: {  	_ =	shalt  }
0x71: {  	_ =	shalt  }
0x72: {  	_ =	shalt  }
0x73: {  	_ =	shalt  }
0x74: {  	_ =	shalt  }
0x75: {  	_ =	shalt  }
0x76: {  	_ =	shalt  }
0x77: {  	_ =	shalt  }
0x78: {  	_ =	shalt  }
0x79: {  	_ =	shalt  }
0x7a: {  	_ =	shalt  }
0x7b: {  	_ =	shalt  }
0x7c: {  	_ =	shalt  }
0x7d: {  	_ =	shalt  }
0x7e: {  	_ =	shalt  }
0x7f: {  	_ =	shalt  }
0x80: {  	_ =	shalt  }
0x81: {  	_ =	shalt  }
0x82: {  	_ =	shalt  }
0x83: {  	_ =	shalt  }
0x84: {  	_ =	shalt  }
0x85: {  	_ =	shalt  }
0x86: {  	_ =	shalt  }
0x87: {  	_ =	shalt  }
.Lfunc_end0:
.L_simem_size_0:
called_computation_lowered:
.L_overlay_start_0:
0x88: {  	s2 =	sld [smem:$0x3FD9]  }
0x89: {  	s3 =	sld [smem:$0x3FFE];
	_ =	sdelay $0x1  }
0x8a: {  	s1 =	srdreg.scid  }
0x8b: {  	s0 =	sand.u32 $0x1, s1  }
0x8c: {  	s17 =	sshll.u32 s0, $0xA;
	s2 =	sadd.s32 s3, s2  }
0x8d: {  	s2 =	sadd.s32 s2, s17  }
0x8e: {  	[smem:$0x3FC6] =	sst s2  }
0x8f: {  	_ = 	snop  }
0x90: {  	s2 =	sld [smem:$0x3FD0];
	(tm) =	ssettm $0x1  }
0x91: {  	s18 =	sld [smem:$0x3FFB];
	_ =	sdelay $0x3  }
0x92: {  	_ =	strace s18  }
0x93: {  	s3 =	sld [smem:$0x3FFC];
	_ =	sdelay $0x3  }
0x94: {  	_ =	strace s3  }
0x95: {  	s3 =	sld [smem:$0x3FFD];
	_ =	sdelay $0x3  }
0x96: {  	_ =	strace s3  }
0x97: {  	_ =	strace $0x8FFFFFFF  }
0x98: {  	s19 =	sld [smem:$0x3FDB];
	_ =	sdelay $0x1  }
0x99: {  	s4 =	simm.s32 $_scs_section_size  }
0x9a: {  	s5 =	simm.s32 $_size__tile_overlayer_lowered;
	s6 =	simm.s32 $_tile_overlayer_lowered  }
0x9b: {  	s22 =	simm.s32 $0x1BFF;
	s21 =	sshll.u32 s6, $0x1;
	s3 =	sadd.s32 s4, s19  }
0x9c: {  	s7 =	simm.s32 $0x0;
	s20 =	sshll.u32 s5, $0x1;
	s5 =	sadd.s32 s21, s3  }
0x9d: {  	[timem:s7], [sflag:s22] =	dma.local [hbm:s5], s20  }
0x9e: {  	_ =	swait.ge [sflag:s22], s20  }
0x9f: {  	s4 =	ssub.s32 $0x0, s20;
	[sflag:s22] =	ssyncset.done $0x0  }
0xa0: {  	[sflag:s22] =	ssyncadd.s32 s4;
	_ =	sdelay $0x1  }
0xa1: {  	s23 =	simm.s32 $0x1B8B  }
0xa2: {  	_ =	swait.ge [sflag:s23], $0x1  }
0xa3: {  	[sflag:s23] =	ssyncset.done $0x0  }
0xa4: {  	s25 =	simm.s32 $0x1B8E;
	s24 =	sld [smem:$0x3FFE];
	[sflag:s23] =	ssyncadd.s32 $0xFFFFFFFF  }
0xa5: {  	s26 =	simm.s32 $execute0_lowered;
	[smem:$0x3FD2] =	sst s25  }
0xa6: {  	s5 =	sshll.u32 s26, $0x1;
	_ =	strace $0x80000046;
	[dreg:$0x1] =	wrdreg $0xFFFFFFFF  }
0xa7: {  	s28 =	simm.s32 $_size_execute0_lowered;
	s3 =	sadd.s32 s3, s5;
	[dreg:$0x0] =	wrdreg $0x0  }
0xa8: {  	s5 =	sshll.u32 s28, $0x1;
	[dreg:$0x2] =	wrdreg s3  }
0xa9: {  	[dreg:$0x3] =	wrdreg s5  }
0xaa: {  	[dreg:$0x4] =	wrdreg $0xC0  }
0xab: {  	_ =	task [dreg:s7], $0x5FFFF  }
0xac: {  	[dreg:$0x1] =	wrdreg $0xFFFFFFFF  }
0xad: {  	[dreg:$0x0] =	wrdreg $0x60  }
0xae: {  	[dreg:$0x2] =	wrdreg s24  }
0xaf: {  	[dreg:$0x3] =	wrdreg s2  }
0xb0: {  	[dreg:$0x4] =	wrdreg $0x9  }
0xb1: {  	_ =	task.clear_ibuf [dreg:s7], $0x5FFFF;
	_ =	strace $0x90000046  }
0xb2: {  	s29 =	simm.s32 $0x9;
	_ =	strace $0x80000048  }
0xb3: {  	_ =	swait.ge [sflag:s29], $0x1  }
0xb4: {  	[sflag:s29] =	ssyncadd.s32 $0xFFFFFFFF  }
0xb5: {  	_ =	strace $0x90000048  }
0xb6: {  	_ =	sfence  }
0xb7: {  	s30 =	sld [smem:$0x0];
	_ =	sdelay $0x2  }
0xb8: {  	s31 =	sshll.u32 s1, $0xD;
	s1 =	sshrl.u32 s1, $0x2  }
0xb9: {  	s3 =	sand.u32 $0x4000, s31;
	s1 =	sadd.s32 s1, s30  }
0xba: {  	s0 =	sor.u32 s3, s0;
	s1 =	sshll.u32 s1, $0x11  }
0xbb: {  	s0 =	sor.u32 s1, s0  }
0xbc: {  	s0 =	sadd.s32 $0x8F2B, s0  }
0xbd: {  	[sflag:s0] =	ssyncadd.remote.s32 $0x1  }
0xbe: {  	_ =	sfence.sel $0xFFFF  }
0xbf: {  	[dreg:$0x0] =	wrdreg $0xFFFFFFFF;
	(pc) =	sbr.abs _section_cstart, $3  }
0xc0: {  	[dreg:$0x1] =	wrdreg $0xFFFFFFFF  }
0xc1: {  	_ =	task.clear_ibuf [dreg:s7], $0x2FFFF;
	_ =	strace $0x9FFFFFFF  }
0xc2: {  	(tm) =	ssettm $0x7FFFFFFF  }
0xc3: {  	_ =	shalt  }
tec
execute0_lowered:
.L_overlay_start_1:
0x0: {  	(tag) =	ssettag $0x1  }
0x1: {  	v0 =	vimm.f32 $1.500000000e+01;
	vm0 =	vcmask $0x300  }
0x2: {  	vm14 =	vcmask $0x704;
	v0 =	vsel vm0, $0x0, v0  }
0x3: {  	vm15 =	vcmask $0xB08;
	v0 =	vsel vm14, $0x3F800000, v0  }
0x4: {  	s7 =	rddreg [dreg:$0x0];
	vm4 =	vcmask $0xF0C;
	v0 =	vsel vm15, $0x40000000, v0  }
0x5: {  	s4 =	srdreg.scid;
	s0 =	stileid.u32;
	vm5 =	vcmask $0x1310;
	v0 =	vsel vm4, $0x40400000, v0  }
0x6: {  	s3 =	simm.s32 $0x0;
	vm6 =	vcmask $0x1714;
	s5 =	sand.u32 $0x1, s4;
	s29 =	sshll.u32 s0, $0x4;
	v0 =	vsel vm5, $0x40800000, v0  }
0x7: {  	vm7 =	vcmask $0x1B18;
	[smem:$0x7FF] =	sst s3;
	s6 =	sshll.u32 s5, $0x3;
	s4 =	sand.u32 $0x30, s29;
	v0 =	vsel vm6, $0x40A00000, v0  }
0x8: {  	s1 =	rddreg [dreg:$0x1];
	vm8 =	vcmask $0x1F1C;
	v1 =	vimm.f32 $3.830000000e+02;
	_ =	strace $0x80000047;
	s4 =	sor.u32 s6, s4;
	v0 =	vsel vm7, $0x40C00000, v0  }
0x9: {  	vm9 =	vcmask $0x2320;
	(erf) = vrcp.f32 v1;
	s6 =	sshrl.u32 s4, $0x3;
	v0 =	vsel vm8, $0x40E00000, v0  }
0xa: {  	vm10 =	vcmask $0x2724;
	s6 =	sadd.s32 $0x2, s6;
	v0 =	vsel vm9, $0x41000000, v0  }
0xb: {  	vm11 =	vcmask $0x2B28;
	s6 =	scvt.s32.f32 s6;
	v0 =	vsel vm10, $0x41100000, v0  }
0xc: {  	vm12 =	vcmask $0x2F2C;
	v0 =	vsel vm11, $0x41200000, v0  }
0xd: {  	vm13 =	vcmask $0x3330;
	s6 =	smul.f32 $3.490909190e+01, s6;
	v0 =	vsel vm12, $0x41300000, v0  }
0xe: {  	vm14 =	vcmask $0x3734;
	v0 =	vsel vm13, $0x41400000, v0  }
0xf: {  	vm15 =	vcmask $0x3B38;
	s6 =	sadd.f32 $-8.000000000e+00, s6;
	v0 =	vsel vm14, $0x41500000, v0  }
0x10: {  	s11 =	simm.s32 $0x1;
	v0 =	vsel vm15, $0x41600000, v0  }
0x11: {  	s12 =	simm.s32 $0x1A600;
	s13 =	simm.s32 $0x1A610;
	s14 =	simm.s32 $0x1A820;
	v2 =	vadd.f32 s6, v0  }
0x12: {  	s15 =	simm.s32 $0x1A830;
	s16 =	simm.s32 $0x20;
	s17 =	simm.s32 $0x180;
	v1 =	vpop (erf)  }
0x13: {  	s18 =	simm.s32 $0xD800;
	s19 =	simm.s32 $0x14400;
	s8 =	ssub.s32 $0x2, s5;
	v2 =	vmul.f32 v2, v1  }
0x14: {  	s2 =	simm.s32 $0x0;
	s9 =	sshrl.u32 s0, $0x2;
	s10 =	sshrl.u32 s8, $0x1  }
0x15: {  	s30 =	sadd.s32 $0x400, s7;
	s5 =	sadd.s32 $0x600, s7;
	s10 =	ssub.s32 s8, s10;
	v2 =	vadd.f32 v2, v2  }
0x16: {  	v3 =	vimm.s32 $0x0;
	[dreg:$0x3] =	wrdreg s30;
	s8 =	smul.u32 $0x180000, s9;
	s31 =	smax.u32 s10, $0x1  }
0x17: {  	v4 =	vimm.f32 $0.0e+00;
	v5 =	vlaneseq.u32;
	s10 =	simm.s32 $0x1A400;
	[dreg:$0x4] =	wrdreg s31;
	s6 =	smul.u32 $0xD80000, s9;
	v2 =	vadd.f32 $-1.000000000e+00, v2  }
.LBB2_1:
0x18: {  	[dreg:$0x5] =	wrdreg s2  }
0x19: {  	s0 =	rddreg [dreg:$0x3]  }
0x1a: {  	[tilespmem:s10], [sflag:$0x1] =	stream.linear.gather [hbm4b:s0+s3], $0x200, $0x38;
	[tilespmem:$0x1AA40] =	vst v63  }
0x1b: {  	_ =	swait.ge [sflag:s11], $0x200  }
0x1c: {  	[sflag:s11] =	ssyncset.done $0x0  }
0x1d: {  	s21 =	simm.s32 $0x0;
	[sflag:s11] =	ssyncadd.s32 $0xFFFFFE00  }
.LBB2_2:
0x1e: {  	s22 =	sor.u32 s4, s21  }
0x1f: {  	s23 =	sshll.u32 s22, $0x3  }
0x20: {  	v6 =	vmov s23;
	_ =	sdelay $0x4  }
0x21: {  	v7 =	vld.idx.msk [tilespmem:v6+s10+$0x0], $0xffff;
	_ =	sdelay $0x4  }
0x22: {  	v7 =	vadd.f32 v7, v2;
	_ =	sdelay $0x1  }
0x23: {  	v7 =	vadd.f32 $1.000000000e+00, v7;
	_ =	sdelay $0x1  }
0x24: {  	v7 =	vmul.f32 $3.840000000e+02, v7;
	_ =	sdelay $0x1  }
0x25: {  	v7 =	vadd.f32 $-1.000000000e+00, v7;
	_ =	sdelay $0x1  }
0x26: {  	v7 =	vmul.f32 $5.000000000e-01, v7;
	_ =	sdelay $0x1  }
0x27: {  	v7 =	vmax.f32 v7, $-1.000000000e+04  }
0x28: {  	v7 =	vmin.f32 v7, $1.000000000e+04  }
0x29: {  	v8 =	vtrunc.f32 v7  }
0x2a: {  	v9 =	vcvt.f32.s32 v8;
	vm0 =	vlt.f32 v7, v8  }
0x2b: {  	v8 =	vsel vm0, $0xFFFFFFFF, v3  }
0x2c: {  	v8 =	vadd.s32 v9, v8  }
0x2d: {  	v9 =	vxor.u32 $0x80000000, v8  }
0x2e: {  	(xrf0) =	vmin.scan.msk.u32 $0xffff, v9;
	_ =	sdelay $0x5  }
0x2f: {  	v9, _, _ =	vpop (xrf0)  }
0x30: {  	(v2sf) =	vpush v9, $0xF;
	_ =	sdelay $0xe  }
0x31: {  	s2 =	spop (v2sf)  }
0x32: {  	s23 =	sxor.u32 $0x80000000, s2  }
0x33: {  	s24 =	sand.u32 $0xFFFFFFF8, s23  }
0x34: {  	p0 =	sgt.s32 s24, $0x0  }
0x35: {  	s9 =	simm.s32 $0x3;
	v9 =	vcvt.s32.f32 v8;
	s24 =	simm.s32 @!p0 $0x0  }
0x36: {  	v15 =	vmov s9;
	v6 =	vor.u32 $0x1, v6;
	vm10 =	vgt.s32 v8, $0x0;
	s24 =	smin.u32 s24, $0x160  }
0x37: {  	vm12 =	vlt.u32 v8, $0x180;
	v7 =	vsub.f32 v7, v9;
	v9 =	vadd.s32 $0x1, v8;
	s23 =	ssub.s32 s23, s24  }
0x38: {  	v10 =	vnsel vm10, $0x0, v8;
	v14 =	vsel vm12, $0x3F800000, v4;
	vm11 =	vgt.s32 v9, $0x0;
	p0 =	sgt.s32 s23, $0x0  }
0x39: {  	v8 =	vmin.u32 v10, $0x17F;
	vm15 =	vlt.u32 v9, $0x180;
	v12 =	vnsel vm11, $0x0, v9;
	s23 =	simm.s32 @!p0 $0x0  }
0x3a: {  	v11 =	vsub.f32 $1.000000000e+00, v7;
	v12 =	vmin.u32 v12, $0x17F;
	v10 =	vmov s24;
	s23 =	smin.u32 s23, $0xE  }
0x3b: {  	v8 =	vsub.s32 v8, v10;
	v10 =	vsub.s32 v12, v10;
	v13 =	vmov s23  }
0x3c: {  	v9 =	vsel vm15, $0x3F800000, v4;
	vm13 =	vgt.s32 v13, v8;
	vm14 =	vgt.s32 v13, v10  }
0x3d: {  	v7 =	vmul.f32 v9, v7;
	s25 =	sadd.s32 $0x11, s23;
	v8 =	vsel vm13, s23, v8;
	v10 =	vsel vm14, s23, v10  }
0x3e: {  	s7 =	simm.s32 $0x0;
	v12 =	vmul.f32 v11, v14;
	v8 =	vmin.u32 v8, s25;
	v10 =	vmin.u32 v10, s25  }
0x3f: {  	s26 =	simm.s32 $0x1;
	v8 =	vsub.s32 v8, v13;
	v10 =	vsub.s32 v10, v13;
	v13 =	vmov s7  }
0x40: {  	v11 =	vld.idx.msk [tilespmem:v6+s10+$0x0], $0xffff;
	v6 =	vmov s26;
	v8 =	vshll.u32 v8, $0x4;
	v13 =	vand.u32 $0xFFFFFFFC, v13  }
0x41: {  	s20 =	simm.s32 $0x2;
	v6 =	vand.u32 $0xFFFFFFFD, v6;
	v10 =	vshll.u32 v10, $0x4;
	[tilespmem:$0x1A600] =	vst v8;
	v8 =	vbroadcast v13, $0x0  }
0x42: {  	v9 =	vbroadcast v6, $0x0;
	[tilespmem:$0x1A610] =	vst v10;
	v10 =	vmov s20  }
0x43: {  	[tilespmem:$0x1A830] =	vst v7;
	v6 =	vand.u32 $0xFFFFFFFE, v10  }
0x44: {  	[tilespmem:$0x1A820] =	vst v12;
	v6 =	vbroadcast v6, $0x0  }
0x45: {  	v7 =	vld.idx.msk [tilespmem:v15+s12+$0x0], $0xffff;
	_ =	sdelay $0x1  }
0x46: {  	v10 =	vld.idx.msk [tilespmem:v8+s12+$0x0], $0xffff  }
0x47: {  	v12 =	vld.idx.msk [tilespmem:v9+s12+$0x0], $0xffff;
	_ =	sdelay $0x1  }
0x48: {  	s30 =	simm.s32 $0x1A720;
	s26 =	simm.s32 $0x4;
	v7 =	vadd.s32 v5, v7;
	v13 =	vld.idx.msk [tilespmem:v6+s12+$0x0], $0xffff  }
0x49: {  	s28 =	simm.s32 $0x7;
	v14 =	vmov s26;
	[tilespmem:s30+$0xFFFFFF30] =	vst v7  }
0x4a: {  	v7 =	vand.u32 $0xFFFFFFFC, v14;
	v14 =	vmov s28;
	v16 =	vld.idx.msk [tilespmem:v15+s13+$0x0], $0xffff;
	v10 =	vadd.s32 v5, v10  }
0x4b: {  	v12 =	vadd.s32 v5, v12;
	[tilespmem:s30+$0xFFFFFF00] =	vst v10  }
0x4c: {  	s31 =	simm.s32 $0x5;
	[tilespmem:s30+$0xFFFFFF10] =	vst v12;
	v7 =	vbroadcast v7, $0x0;
	v17 =	vld.idx.msk [tilespmem:v8+s13+$0x0], $0xffff  }
0x4d: {  	s29 =	simm.s32 $0x6;
	v10 =	vmov s31;
	v12 =	vadd.s32 v5, v13;
	v13 =	vld.idx.msk [tilespmem:v9+s13+$0x0], $0xffff  }
0x4e: {  	v18 =	vmov s29;
	v10 =	vand.u32 $0xFFFFFFFD, v10  }
0x4f: {  	v18 =	vand.u32 $0xFFFFFFFE, v18;
	v24 =	vld.idx.msk [tilespmem:v14+s12+$0x0], $0xffff;
	v16 =	vadd.s32 v5, v16;
	[tilespmem:s30+$0xFFFFFF20] =	vst v12;
	v12 =	vbroadcast v10, $0x0  }
0x50: {  	v10 =	vbroadcast v18, $0x0;
	[tilespmem:s30+$0x30] =	vst v16;
	v19 =	vld.idx.msk [tilespmem:v6+s13+$0x0], $0xffff  }
0x51: {  	v20 =	vld.idx.msk [tilespmem:v15+s14+$0x0], $0xffff;
	v16 =	vadd.s32 v5, v17  }
0x52: {  	v18 =	vld.idx.msk [tilespmem:v7+s12+$0x0], $0xffff;
	v13 =	vadd.s32 v5, v13;
	[tilespmem:s30+$0x0] =	vst v16  }
0x53: {  	[tilespmem:s30+$0x10] =	vst v13;
	v22 =	vld.idx.msk [tilespmem:v8+s14+$0x0], $0xffff  }
0x54: {  	v21 =	vld.idx.msk [tilespmem:v9+s14+$0x0], $0xffff  }
0x55: {  	s25 =	simm.s32 $0x1A940;
	v13 =	vadd.s32 v5, v19;
	v23 =	vld.idx.msk [tilespmem:v12+s12+$0x0], $0xffff  }
0x56: {  	v19 =	vld.idx.msk [tilespmem:v10+s12+$0x0], $0xffff;
	[tilespmem:s25+$0xFFFFFF30] =	vst v20  }
0x57: {  	[tilespmem:s30+$0x20] =	vst v13;
	v15 =	vld.idx.msk [tilespmem:v15+s15+$0x0], $0xffff  }
0x58: {  	s29 =	simm.s32 $0x8;
	s26 =	simm.s32 $0x1A940;
	s28 =	simm.s32 $0x1A760;
	v24 =	vadd.s32 v5, v24;
	v16 =	vmov v12;
	v17 =	vld.idx.msk [tilespmem:v6+s14+$0x0], $0xffff;
	v13 =	vmov v14  }
.LBB2_3:
0x59: {  	p0 =	slt.u32 s29, $0xC  }
0x5a: {  	[tilespmem:s25+$0xFFFFFF00] =	vst v22;
	s26 =	sadd.s32 $0x40, s26;
	s30 =	smov.u32 s29;
	s29 =	sadd.s32 $0x4, s29  }
0x5b: {  	v18 =	vadd.s32 v5, v18;
	v20 =	vld.idx.msk [tilespmem:v8+s15+$0x0], $0xffff;
	[tilespmem:s25+$0xFFFFFF10] =	vst v21;
	v8 =	vmov v7  }
0x5c: {  	s31 =	sadd.s32 $0x1, s30;
	s0 =	sadd.s32 $0x2, s30;
	v21 =	vadd.s32 v5, v23;
	[tilespmem:s28+$0xFFFFFF30] =	vst v24;
	v22 =	vld.idx.msk [tilespmem:v9+s15+$0x0], $0xffff;
	v9 =	vmov v12  }
0x5d: {  	v12 =	vmov s30;
	v23 =	vmov s31;
	v24 =	vmov s0;
	v25 =	vld.idx.msk [tilespmem:v14+s13+$0x0], $0xffff  }
0x5e: {  	v14 =	vand.u32 $0xFFFFFFFC, v12;
	v12 =	vand.u32 $0xFFFFFFFD, v23;
	v23 =	vand.u32 $0xFFFFFFFE, v24;
	[tilespmem:s28+$0xFFFFFF00] =	vst v18  }
0x5f: {  	s0 =	sadd.s32 $0x3, s30;
	v12 =	vbroadcast v12, $0x0;
	v18 =	vadd.s32 v5, v19;
	v24 =	vld.idx.msk [tilespmem:v7+s13+$0x0], $0xffff;
	v7 =	vbroadcast v14, $0x0;
	[tilespmem:s28+$0xFFFFFF10] =	vst v21  }
0x60: {  	v19 =	vbroadcast v23, $0x0;
	v14 =	vmov s0;
	v21 =	vld.idx.msk [tilespmem:v16+s13+$0x0], $0xffff;
	[tilespmem:s28+$0xFFFFFF20] =	vst v18  }
0x61: {  	v16 =	vmov v12;
	v23 =	vld.idx.msk [tilespmem:v10+s13+$0x0], $0xffff;
	[tilespmem:s25+$0xFFFFFF20] =	vst v17  }
0x62: {  	[tilespmem:s25+$0x10] =	vst v22;
	v17 =	vld.idx.msk [tilespmem:v6+s15+$0x0], $0xffff;
	v6 =	vmov v10;
	v10 =	vmov v19  }
0x63: {  	v19 =	vadd.s32 v5, v25;
	[tilespmem:s25+$0x0] =	vst v20  }
0x64: {  	[tilespmem:s25+$0x30] =	vst v15  }
0x65: {  	v18 =	vld.idx.msk [tilespmem:v7+s12+$0x0], $0xffff;
	[tilespmem:s28+$0x30] =	vst v19  }
0x66: {  	v15 =	vadd.s32 v5, v24;
	v20 =	vld.idx.msk [tilespmem:v13+s14+$0x0], $0xffff  }
0x67: {  	v19 =	vadd.s32 v5, v23;
	v24 =	vld.idx.msk [tilespmem:v14+s12+$0x0], $0xffff;
	[tilespmem:s28+$0x0] =	vst v15;
	v15 =	vadd.s32 v5, v21  }
0x68: {  	v22 =	vld.idx.msk [tilespmem:v8+s14+$0x0], $0xffff;
	[tilespmem:s28+$0x10] =	vst v15  }
.Ltmp0:
0x69: {  	v21 =	vld.idx.msk [tilespmem:v9+s14+$0x0], $0xffff;
	[tilespmem:s28+$0x20] =	vst v19;
	(pc) =	sbr.rel @p0 .LBB2_3-.Ltmp0, $4  }
0x6a: {  	v23 =	vld.idx.msk [tilespmem:v12+s12+$0x0], $0xffff;
	[tilespmem:s25+$0x20] =	vst v17;
	s25 =	smov.u32 s26  }
0x6b: {  	s28 =	sadd.s32 $0x40, s28;
	v19 =	vld.idx.msk [tilespmem:v10+s12+$0x0], $0xffff  }
0x6c: {  	v17 =	vld.idx.msk [tilespmem:v6+s14+$0x0], $0xffff;
	[tilespmem:s26+$0xFFFFFF30] =	vst v20  }
0x6d: {  	v24 =	vadd.s32 v5, v24;
	v15 =	vld.idx.msk [tilespmem:v13+s15+$0x0], $0xffff;
	v13 =	vmov v14  }
0x6e: {  	s0 =	sadd.s32 $0x2, s21  }
0x6f: {  	s0 =	scvt.s32.f32 s0;
	_ =	sdelay $0x1  }
0x70: {  	s0 =	smul.f32 $3.490909190e+01, s0;
	_ =	sdelay $0x1  }
0x71: {  	s0 =	sadd.f32 $-8.000000000e+00, s0;
	_ =	sdelay $0x1  }
0x72: {  	v20 =	vadd.f32 s0, v0;
	_ =	sdelay $0x1  }
0x73: {  	v20 =	vmul.f32 v20, v1;
	_ =	sdelay $0x1  }
0x74: {  	v20 =	vadd.f32 v20, v20;
	_ =	sdelay $0x1  }
0x75: {  	v20 =	vadd.f32 $-1.000000000e+00, v20;
	_ =	sdelay $0x1  }
0x76: {  	v11 =	vadd.f32 v11, v20;
	_ =	sdelay $0x1  }
0x77: {  	v11 =	vadd.f32 $1.000000000e+00, v11;
	_ =	sdelay $0x1  }
0x78: {  	v11 =	vmul.f32 $3.840000000e+02, v11;
	_ =	sdelay $0x1  }
0x79: {  	v11 =	vadd.f32 $-1.000000000e+00, v11;
	_ =	sdelay $0x1  }
0x7a: {  	v11 =	vmul.f32 $5.000000000e-01, v11;
	_ =	sdelay $0x1  }
0x7b: {  	v11 =	vmax.f32 v11, $-1.000000000e+04  }
0x7c: {  	v20 =	vmin.f32 v11, $1.000000000e+04  }
0x7d: {  	v11 =	vtrunc.f32 v20  }
0x7e: {  	v25 =	vcvt.f32.s32 v11;
	vm0 =	vlt.f32 v20, v11  }
0x7f: {  	v11 =	vsel vm0, $0xFFFFFFFF, v3  }
0x80: {  	v11 =	vadd.s32 v25, v11  }
0x81: {  	v25 =	vxor.u32 $0x80000000, v11  }
0x82: {  	(xrf0) =	vmin.scan.msk.u32 $0xffff, v25;
	_ =	sdelay $0x5  }
0x83: {  	v25, _, _ =	vpop (xrf0)  }
0x84: {  	(v2sf) =	vpush v25, $0xF;
	_ =	sdelay $0x2  }
0x85: {  	v18 =	vadd.s32 v5, v18;
	[tilespmem:s28+$0xFFFFFF30] =	vst v24  }
0x86: {  	v23 =	vadd.s32 v5, v23;
	[tilespmem:s28+$0xFFFFFF00] =	vst v18;
	v14 =	vld.idx.msk [tilespmem:v14+s13+$0x0], $0xffff  }
0x87: {  	[tilespmem:s28+$0xFFFFFF10] =	vst v23;
	v18 =	vld.idx.msk [tilespmem:v7+s13+$0x0], $0xffff;
	v19 =	vadd.s32 v5, v19  }
0x88: {  	v16 =	vld.idx.msk [tilespmem:v16+s13+$0x0], $0xffff;
	[tilespmem:s28+$0xFFFFFF20] =	vst v19  }
0x89: {  	[tilespmem:s25+$0xFFFFFF00] =	vst v22;
	v19 =	vld.idx.msk [tilespmem:v10+s13+$0x0], $0xffff  }
0x8a: {  	[tilespmem:s25+$0xFFFFFF10] =	vst v21  }
0x8b: {  	v9 =	vld.idx.msk [tilespmem:v9+s15+$0x0], $0xffff;
	[tilespmem:s25+$0xFFFFFF20] =	vst v17;
	v14 =	vadd.s32 v5, v14  }
0x8c: {  	v8 =	vld.idx.msk [tilespmem:v8+s15+$0x0], $0xffff;
	v61 =	vadd.s32 v5, v18;
	[tilespmem:s28+$0x30] =	vst v14  }
0x8d: {  	v16 =	vadd.s32 v5, v16;
	[tilespmem:s28+$0x0] =	vst v61;
	v18 =	vld.idx.msk [tilespmem:v13+s14+$0x0], $0xffff  }
0x8e: {  	[tilespmem:s28+$0x10] =	vst v16;
	v62 =	vadd.s32 v5, v19;
	v17 =	vld.idx.msk [tilespmem:v7+s14+$0x0], $0xffff  }
0x8f: {  	v16 =	vld.idx.msk [tilespmem:v12+s14+$0x0], $0xffff;
	[tilespmem:s28+$0x20] =	vst v62  }
0x90: {  	[tilespmem:s25+$0x10] =	vst v9;
	v9 =	vld.idx.msk [tilespmem:v10+s14+$0x0], $0xffff  }
0x91: {  	s30 =	sadd.s32 $0x40, s26;
	[tilespmem:s25+$0x0] =	vst v8;
	s31 =	spop (v2sf)  }
0x92: {  	v6 =	vld.idx.msk [tilespmem:v6+s15+$0x0], $0xffff;
	[tilespmem:s30+$0xFFFFFF30] =	vst v18;
	s26 =	sxor.u32 $0x80000000, s31  }
0x93: {  	[tilespmem:s30+$0xFFFFFF00] =	vst v17;
	v63 =	vld.idx.msk [tilespmem:v13+s15+$0x0], $0xffff;
	p0 =	sgt.s32 s26, $0x0  }
0x94: {  	[tilespmem:s30+$0xFFFFFF10] =	vst v16;
	v7 =	vld.idx.msk [tilespmem:v7+s15+$0x0], $0xffff;
	s26 =	simm.s32 @!p0 $0x0  }
0x95: {  	v8 =	vld.idx.msk [tilespmem:v12+s15+$0x0], $0xffff;
	[tilespmem:s30+$0xFFFFFF20] =	vst v9;
	s26 =	smin.u32 s26, $0x16E  }
0x96: {  	[tilespmem:s25+$0x30] =	vst v15;
	v9 =	vld.idx.msk [tilespmem:v10+s15+$0x0], $0xffff;
	s28 =	smul.u32 $0x180, s26  }
0x97: {  	s24 =	sor.u32 s6, s24;
	[tilespmem:s25+$0x20] =	vst v6  }
0x98: {  	[tilespmem:s30+$0x30] =	vst v63;
	s24 =	sadd.s32 s28, s24  }
0x99: {  	[tilespmem:s30+$0x0] =	vst v7;
	s24 =	sshrl.u32 s24, $0x3  }
0x9a: {  	[tilespmem:s30+$0x10] =	vst v8;
	s24 =	sadd.s32 s5, s24  }
0x9b: {  	s25 =	simm.s32 $0x0;
	[tilespmem:s30+$0x20] =	vst v9;
	s28 =	simm.s32 $0x900;
	s29 =	sadd.s32 $0x4800, s24  }
.LBB2_5:
0x9c: {  	[tilespmem:s25], [sflag:$0x1] =	stream.strided.gather [hbm4b:s24+s16], $0x240, s17, s16, $0x38;
	[tilespmem:$0x1AA40] =	vst v63  }
0x9d: {  	s0 =	smov.u32 s28;
	s24 =	smov.u32 s29;
	p0 =	sne.s32 s28, $0x35700  }
.Ltmp1:
0x9e: {  	s28 =	sadd.s32 $0x900, s28;
	(pc) =	sbr.rel @p0 .LBB2_5-.Ltmp1, $2  }
0x9f: {  	_ =	sdelay $0x2  }
0xa0: {  	s29 =	sadd.s32 $0x4800, s29;
	s25 =	sshra.s32 s0, $0x2  }
0xa1: {  	v6 =	vcvt.s32.f32 v11;
	vm0 =	vlt.u32 v11, $0x180;
	s0 =	simm.s32 $0xFFFFFFFA  }
0xa2: {  	vm12 =	vgt.s32 v11, $0x0;
	v12 =	vmov s26;
	v8 =	vsel vm0, $0x3F800000, v4;
	s0 =	smul.u32 $0xE38F, s0  }
0xa3: {  	[tilespmem:s25], [sflag:$0x1] =	stream.strided.gather [hbm4b:s24+s16], $0x240, s17, s16, $0x38;
	v10 =	vnsel vm12, $0x0, v11;
	v7 =	vsub.f32 v20, v6;
	v6 =	vadd.s32 $0x1, v11;
	[tilespmem:$0x1AA40] =	vst v63  }
0xa4: {  	v10 =	vmin.u32 v10, $0x17F;
	vm1 =	vgt.s32 v6, $0x0;
	s30 =	sadd.s32 $0x71C78, s0;
	vm13 =	vlt.u32 v6, $0x180;
	s2 =	sadd.s32 $0x9C725, s0  }
0xa5: {  	s28 =	sadd.s32 $0x638E9, s0;
	v9 =	vsub.f32 $1.000000000e+00, v7;
	v11 =	vnsel vm1, $0x0, v6;
	v6 =	vsub.s32 v10, v12;
	s26 =	sshrl.u32 s30, $0x14;
	s2 =	sshrl.u32 s2, $0x14  }
0xa6: {  	s29 =	sadd.s32 $0x8E396, s0;
	s28 =	sshrl.u32 s28, $0x14;
	v11 =	vmin.u32 v11, $0x17F;
	vm14 =	vgt.s32 v6, $0x0;
	s30 =	smul.u32 $0x12, s26;
	v14 =	vmov s2  }
0xa7: {  	s29 =	sshrl.u32 s29, $0x14;
	s28 =	smul.u32 $0x12, s28;
	v10 =	vsub.s32 v11, v12;
	v11 =	vsel vm13, $0x3F800000, v4;
	v12 =	vnsel vm14, $0x0, v6  }
0xa8: {  	s31 =	sadd.s32 $0x80007, s0;
	s0 =	sadd.s32 $0x5555A, s0;
	s7 =	smul.u32 $0x12, s29;
	v6 =	vmul.f32 v9, v8;
	v14 =	vmul.u32 $0x240, v14;
	vm15 =	vgt.s32 v10, $0x0  }
0xa9: {  	s0 =	sshrl.u32 s0, $0x14;
	v7 =	vmul.f32 v11, v7;
	v9 =	vmin.u32 v12, $0x11;
	v11 =	vmov s29;
	s28 =	ssub.s32 $0xFFFFFFFA, s28  }
0xaa: {  	s7 =	ssub.s32 $0xFFFFFFFA, s7;
	s30 =	ssub.s32 $0xFFFFFFFA, s30;
	v8 =	vnsel vm15, $0x0, v10;
	v11 =	vmul.u32 $0x240, v11;
	s28 =	sadd.s32 $0x7, s28;
	v14 =	vbroadcast v14, $0x0  }
0xab: {  	s7 =	sadd.s32 $0xA, s7;
	v10 =	vmin.u32 v8, $0x11;
	v8 =	vshll.u32 v9, $0x5;
	v9 =	vmov s26;
	s26 =	sshrl.u32 s31, $0x14;
	s31 =	smul.u32 $0x12, s0  }
0xac: {  	s9 =	sand.u32 $0xFFFF, s28;
	s28 =	smul.u32 $0x12, s2;
	s7 =	sand.u32 $0xFFFF, s7;
	v12 =	vmul.u32 $0x240, v9;
	v13 =	vmov s26;
	v9 =	vshll.u32 v10, $0x5  }
0xad: {  	s2 =	sadd.s32 $0x8, s30;
	v10 =	vmov s0;
	v11 =	vbroadcast v11, $0x0;
	s0 =	sadd.s32 s9, s23;
	s20 =	sadd.s32 s7, s23;
	v13 =	vmul.u32 $0x240, v13  }
0xae: {  	s2 =	sand.u32 $0xFFFF, s2;
	v10 =	vmul.u32 $0x240, v10;
	v15 =	vmov s0;
	v16 =	vmov s20  }
0xaf: {  	s29 =	ssub.s32 $0x0, s31;
	s2 =	sadd.s32 s2, s23;
	v12 =	vbroadcast v12, $0x0;
	v17 =	vand.u32 $0x38, v15;
	v15 =	vand.u32 $0x7, v15  }
0xb0: {  	s9 =	sand.u32 $0xFFFF, s29;
	v18 =	vand.u32 $0x38, v16;
	v16 =	vand.u32 $0x7, v16;
	v24 =	vmov s2  }
0xb1: {  	s26 =	smul.u32 $0x12, s26;
	s31 =	ssub.s32 $0xFFFFFFFA, s28;
	v13 =	vbroadcast v13, $0x0;
	v10 =	vbroadcast v10, $0x0;
	s0 =	sadd.s32 s9, s23;
	v11 =	vor.u32 v11, v18  }
0xb2: {  	s7 =	sadd.s32 $0xB, s31;
	v27 =	vand.u32 $0x38, v24;
	v24 =	vand.u32 $0x7, v24;
	v18 =	vmov s0  }
0xb3: {  	s26 =	ssub.s32 $0xFFFFFFFA, s26;
	s7 =	sand.u32 $0xFFFF, s7;
	v21 =	vadd.s32 v8, v11;
	v11 =	vadd.s32 v9, v11;
	v12 =	vor.u32 v12, v27  }
0xb4: {  	s20 =	sadd.s32 $0x9, s26;
	s7 =	sadd.s32 s7, s23;
	v19 =	vadd.s32 v8, v10;
	v22 =	vand.u32 $0x38, v18;
	v18 =	vand.u32 $0x7, v18  }
0xb5: {  	s0 =	sand.u32 $0xFFFF, s20;
	v23 =	vmov s7;
	v21 =	vor.u32 v16, v21;
	v28 =	vadd.s32 v8, v12  }
0xb6: {  	s0 =	sadd.s32 s0, s23;
	v12 =	vadd.s32 v9, v12;
	v11 =	vor.u32 v16, v11;
	v10 =	vadd.s32 v9, v10  }
0xb7: {  	s25 =	simm.s32 $0x0;
	v20 =	vadd.s32 v19, v17;
	v25 =	vand.u32 $0x38, v23;
	v26 =	vmov s0  }
0xb8: {  	v19 =	vadd.s32 v22, v19;
	v16 =	vor.u32 v24, v12;
	s0 =	smul.u32 $0xE38F, s25;
	v27 =	vand.u32 $0x38, v26  }
0xb9: {  	_ =	swait.ge [sflag:s11], $0xD800;
	v26 =	vand.u32 $0x7, v26;
	v14 =	vor.u32 v14, v25;
	v13 =	vor.u32 v13, v27  }
0xba: {  	s24 =	simm.s32 $0x0;
	[sflag:s11] =	ssyncset.done $0x0;
	v20 =	vor.u32 v15, v20;
	v19 =	vor.u32 v18, v19;
	s26 =	sadd.s32 $0x71C78, s0;
	v12 =	vadd.s32 v8, v13  }
0xbb: {  	[sflag:s11] =	ssyncadd.s32 $0xFFFF2800;
	s30 =	sadd.s32 $0x8E396, s0;
	v13 =	vadd.s32 v9, v13;
	s2 =	sshrl.u32 s26, $0x14;
	v25 =	vor.u32 v26, v12;
	v12 =	vadd.s32 v22, v10  }
0xbc: {  	s29 =	sadd.s32 $0x638E9, s0;
	s28 =	sadd.s32 $0x5555A, s0;
	s25 =	sshrl.u32 s30, $0x14;
	v21 =	vld.idx.msk [tilespmem:v21+s24+$0x0], $0xffff;
	v13 =	vor.u32 v26, v13;
	v10 =	vadd.s32 v10, v17;
	v17 =	vmov s2  }
0xbd: {  	s7 =	sshrl.u32 s29, $0x14;
	s28 =	sshrl.u32 s28, $0x14;
	v11 =	vld.idx.msk [tilespmem:v11+s24+$0x0], $0xffff;
	v26 =	vor.u32 v18, v12;
	v12 =	vor.u32 v24, v28;
	v18 =	vmov s25  }
0xbe: {  	s31 =	sadd.s32 $0x80007, s0;
	s7 =	smul.u32 $0x12, s7;
	v17 =	vmul.u32 $0x240, v17;
	v24 =	vmov s28;
	v18 =	vmul.u32 $0x240, v18  }
0xbf: {  	v23 =	vand.u32 $0x7, v23;
	s26 =	sshrl.u32 s31, $0x14;
	s2 =	smul.u32 $0x12, s2;
	v24 =	vmul.u32 $0x240, v24  }
0xc0: {  	s0 =	sadd.s32 $0x9C725, s0;
	v22 =	vmov s26;
	v16 =	vld.idx.msk [tilespmem:v16+s24+$0x0], $0xffff;
	s7 =	ssub.s32 $0x0, s7;
	v17 =	vbroadcast v17, $0x0;
	v18 =	vbroadcast v18, $0x0  }
0xc1: {  	s25 =	smul.u32 $0x12, s25;
	v28 =	vor.u32 v15, v10;
	v20 =	vld.idx.msk [tilespmem:v20+s24+$0x0], $0xffff;
	s2 =	ssub.s32 $0x0, s2;
	s7 =	sadd.s32 $0x7, s7;
	v15 =	vbroadcast v24, $0x0;
	v34 =	vmul.f32 v21, v6  }
0xc2: {  	s0 =	sshrl.u32 s0, $0x14;
	v19 =	vld.idx.msk [tilespmem:v19+s24+$0x0], $0xffff;
	s2 =	sadd.s32 $0x8, s2;
	s7 =	sand.u32 $0xFFFF, s7;
	v21 =	vadd.s32 v9, v14;
	v14 =	vadd.s32 v8, v14;
	v35 =	vmul.f32 v11, v7  }
0xc3: {  	s25 =	ssub.s32 $0x0, s25;
	s2 =	sand.u32 $0xFFFF, s2;
	s7 =	sadd.s32 s7, s23;
	v11 =	vmov s0;
	v27 =	vor.u32 v23, v14;
	v14 =	vld.idx.msk [tilespmem:v13+s24+$0x0], $0xffff;
	v13 =	vmul.u32 $0x240, v22  }
0xc4: {  	s25 =	sadd.s32 $0xA, s25;
	s30 =	sadd.s32 s2, s23;
	v21 =	vor.u32 v23, v21;
	v10 =	vmov s7;
	v23 =	vmul.u32 $0x240, v11  }
0xc5: {  	s25 =	sand.u32 $0xFFFF, s25;
	v31 =	vadd.s32 v8, v15;
	v16 =	vmul.f32 v16, v7;
	v38 =	vmov s30  }
0xc6: {  	s28 =	smul.u32 $0x12, s28;
	v22 =	vld.idx.msk [tilespmem:v12+s24+$0x0], $0xffff;
	s9 =	sadd.s32 s25, s23;
	v12 =	vand.u32 $0x38, v10;
	v10 =	vand.u32 $0x7, v10;
	v11 =	vmul.f32 v20, v6  }
0xc7: {  	s0 =	smul.u32 $0x12, s0;
	v20 =	vmov s9;
	v40 =	vand.u32 $0x38, v38;
	v29 =	vbroadcast v13, $0x0  }
0xc8: {  	s26 =	smul.u32 $0x12, s26;
	v13 =	vmul.f32 v19, v6;
	v19 =	vld.idx.msk [tilespmem:v25+s24+$0x0], $0xffff;
	v24 =	vand.u32 $0x38, v20;
	v25 =	vand.u32 $0x7, v20  }
0xc9: {  	s20 =	ssub.s32 $0x6, s28;
	v43 =	vld.idx.msk [tilespmem:v26+s24+$0x0], $0xffff;
	s0 =	ssub.s32 $0x0, s0;
	v20 =	vadd.s32 v31, v12;
	v42 =	vbroadcast v23, $0x0;
	v17 =	vor.u32 v17, v40  }
0xca: {  	s26 =	ssub.s32 $0x0, s26;
	s25 =	sand.u32 $0xFFFF, s20;
	s0 =	sadd.s32 $0xB, s0;
	v23 =	vld.idx.msk [tilespmem:v28+s24+$0x0], $0xffff;
	v28 =	vand.u32 $0x7, v38;
	v24 =	vor.u32 v18, v24;
	v26 =	vadd.s32 v8, v17  }
0xcb: {  	s29 =	sadd.s32 $0x9, s26;
	s7 =	sadd.s32 s25, s23;
	s0 =	sand.u32 $0xFFFF, s0;
	v17 =	vadd.s32 v9, v17;
	v33 =	vadd.s32 v8, v24;
	v36 =	vadd.s32 v9, v24  }
0xcc: {  	s0 =	sadd.s32 s0, s23;
	v30 =	vmul.f32 v14, v7;
	v32 =	vmul.f32 v22, v6;
	v14 =	vmov s7;
	s7 =	sand.u32 $0xFFFF, s29  }
0xcd: {  	v24 =	vld.idx.msk [tilespmem:v27+s24+$0x0], $0xffff;
	v22 =	vand.u32 $0x38, v14;
	v18 =	vand.u32 $0x7, v14;
	v14 =	vmov s0;
	s31 =	sadd.s32 s7, s23  }
0xce: {  	v41 =	vor.u32 v25, v33;
	v37 =	vand.u32 $0x38, v14;
	v39 =	vmov s31  }
0xcf: {  	v19 =	vmul.f32 v19, v6;
	v27 =	vadd.s32 v22, v31;
	v32 =	vadd.f32 v16, v32  }
0xd0: {  	v16 =	vor.u32 v28, v17;
	v17 =	vadd.f32 v35, v34;
	v31 =	vand.u32 $0x38, v39  }
0xd1: {  	s25 =	simm.s32 $0xD830;
	v29 =	vor.u32 v29, v31;
	v63 =	vadd.f32 v30, v19;
	v19 =	vld.idx.msk [tilespmem:v21+s24+$0x0], $0xffff;
	v30 =	vor.u32 v25, v36  }
0xd2: {  	[tilespmem:s25+$0xFFFFFFF0] =	vst v32;
	v25 =	vor.u32 v42, v37;
	v31 =	vadd.s32 v8, v29;
	v21 =	vmul.f32 v24, v6  }
0xd3: {  	s26 =	simm.s32 $0x6;
	s28 =	simm.s32 $0xD830;
	v32 =	vand.u32 $0x7, v39;
	v33 =	vadd.s32 v9, v29;
	v24 =	vld.idx.msk [tilespmem:v41+s24+$0x0], $0xffff;
	v29 =	vmul.f32 v43, v7;
	[tilespmem:s25+$0x0] =	vst v63  }
.LBB2_7:
0xd4: {  	s0 =	smul.u32 $0xE38F, s26  }
0xd5: {  	v15 =	vadd.s32 v9, v15;
	v31 =	vor.u32 v32, v31;
	v32 =	vor.u32 v32, v33;
	s25 =	sadd.s32 $0x60, s25;
	s29 =	smov.u32 s26;
	s26 =	sadd.s32 $0x6, s26  }
0xd6: {  	v20 =	vor.u32 v10, v20;
	v23 =	vmul.f32 v23, v7;
	p0 =	slt.u32 s26, $0x6BA;
	v22 =	vadd.s32 v22, v15;
	[tilespmem:s28+$0x10] =	vst v17  }
0xd7: {  	v27 =	vor.u32 v18, v27;
	v13 =	vadd.f32 v29, v13;
	s2 =	sadd.s32 $0x638E9, s0;
	s7 =	sadd.s32 $0x71C78, s0;
	s30 =	sadd.s32 $0x8E396, s0;
	v18 =	vor.u32 v18, v22  }
0xd8: {  	v12 =	vadd.s32 v15, v12;
	v15 =	vor.u32 v28, v26;
	v11 =	vadd.f32 v23, v11;
	s2 =	sshrl.u32 s2, $0x14;
	s7 =	sshrl.u32 s7, $0x14;
	s31 =	sshrl.u32 s30, $0x14;
	v22 =	vld.idx.msk [tilespmem:v30+s24+$0x0], $0xffff  }
0xd9: {  	s20 =	sadd.s32 $0x9C725, s0;
	s9 =	smul.u32 $0x12, s7;
	v17 =	vmov s7;
	s7 =	sadd.s32 $0x80007, s0;
	v23 =	vmov s31;
	[tilespmem:s28+$0xFFFFFFD0] =	vst v13;
	v13 =	vmul.f32 v19, v7  }
0xda: {  	s0 =	sadd.s32 $0x5555A, s0;
	s2 =	smul.u32 $0x12, s2;
	v19 =	vmul.u32 $0x240, v17;
	s30 =	sshrl.u32 s7, $0x14;
	v26 =	vld.idx.msk [tilespmem:v31+s24+$0x0], $0xffff;
	v17 =	vmul.f32 v24, v6;
	v24 =	vadd.s32 v9, v25  }
0xdb: {  	s20 =	sshrl.u32 s20, $0x14;
	s0 =	sshrl.u32 s0, $0x14;
	s7 =	smul.u32 $0x12, s31;
	v25 =	vadd.s32 v8, v25;
	v28 =	vmov s30;
	v20 =	vld.idx.msk [tilespmem:v20+s24+$0x0], $0xffff;
	[tilespmem:s28+$0xFFFFFFE0] =	vst v11;
	v11 =	vadd.f32 v13, v21  }
0xdc: {  	v14 =	vand.u32 $0x7, v14;
	s31 =	smul.u32 $0x12, s0;
	v13 =	vmov s0;
	s0 =	ssub.s32 s29, s2;
	v21 =	vmul.u32 $0x240, v23;
	v23 =	vld.idx.msk [tilespmem:v27+s24+$0x0], $0xffff  }
0xdd: {  	v25 =	vor.u32 v14, v25;
	v13 =	vmul.u32 $0x240, v13;
	s0 =	sadd.s32 $0x7, s0;
	v29 =	vbroadcast v19, $0x0;
	s2 =	ssub.s32 s29, s7;
	s7 =	smul.u32 $0x12, s20;
	v19 =	vld.idx.msk [tilespmem:v32+s24+$0x0], $0xffff;
	[tilespmem:s28+$0x20] =	vst v11  }
0xde: {  	s28 =	ssub.s32 s26, s31;
	s0 =	sand.u32 $0xFFFF, s0;
	v11 =	vmul.u32 $0x240, v28;
	s2 =	sadd.s32 $0xA, s2;
	v21 =	vbroadcast v21, $0x0;
	v34 =	vmul.f32 v22, v7;
	v27 =	vld.idx.msk [tilespmem:v15+s24+$0x0], $0xffff  }
0xdf: {  	s9 =	ssub.s32 s29, s9;
	v24 =	vor.u32 v14, v24;
	v22 =	vor.u32 v10, v12;
	s0 =	sadd.s32 s0, s23;
	s2 =	sand.u32 $0xFFFF, s2;
	v15 =	vmov s20;
	v16 =	vld.idx.msk [tilespmem:v16+s24+$0x0], $0xffff  }
0xe0: {  	s20 =	sand.u32 $0xFFFF, s28;
	s7 =	ssub.s32 s29, s7;
	v10 =	vmov s0;
	s0 =	sadd.s32 $0x8, s9;
	v30 =	vbroadcast v11, $0x0;
	v28 =	vmul.u32 $0x240, v15;
	v35 =	vld.idx.msk [tilespmem:v18+s24+$0x0], $0xffff  }
0xe1: {  	s2 =	sadd.s32 s2, s23;
	s7 =	sadd.s32 $0xB, s7;
	v12 =	vand.u32 $0x38, v10;
	v10 =	vand.u32 $0x7, v10;
	s0 =	sand.u32 $0xFFFF, s0;
	v11 =	vmul.f32 v20, v6  }
0xe2: {  	s9 =	sadd.s32 s20, s23;
	v15 =	vbroadcast v13, $0x0;
	s20 =	smul.u32 $0x12, s30;
	v14 =	vmov s2;
	s2 =	sand.u32 $0xFFFF, s7;
	v13 =	vmul.f32 v23, v6  }
0xe3: {  	s28 =	smov.u32 s25;
	v18 =	vand.u32 $0x38, v14;
	v36 =	vand.u32 $0x7, v14;
	v31 =	vmul.f32 v19, v7  }
0xe4: {  	v32 =	vadd.s32 v8, v15;
	s7 =	ssub.s32 s29, s20;
	s2 =	sadd.s32 s2, s23;
	v19 =	vor.u32 v21, v18;
	v21 =	vmul.f32 v27, v6  }
0xe5: {  	v14 =	vmov s9;
	v20 =	vadd.s32 v32, v12;
	s7 =	sadd.s32 $0x9, s7;
	v27 =	vadd.s32 v8, v19;
	v23 =	vld.idx.msk [tilespmem:v22+s24+$0x0], $0xffff  }
0xe6: {  	v18 =	vand.u32 $0x7, v14;
	s7 =	sand.u32 $0xFFFF, s7;
	v22 =	vand.u32 $0x38, v14;
	v14 =	vmov s2;
	v25 =	vld.idx.msk [tilespmem:v25+s24+$0x0], $0xffff  }
0xe7: {  	s0 =	sadd.s32 s0, s23;
	v37 =	vadd.s32 v9, v19;
	v16 =	vmul.f32 v16, v7;
	s2 =	sadd.s32 s7, s23;
	v38 =	vand.u32 $0x38, v14;
	v19 =	vld.idx.msk [tilespmem:v24+s24+$0x0], $0xffff  }
0xe8: {  	v39 =	vmul.f32 v26, v6;
	v33 =	vmov s2;
	v24 =	vmov s0  }
0xe9: {  	v41 =	vbroadcast v28, $0x0;
	v40 =	vor.u32 v36, v27;
	v26 =	vand.u32 $0x38, v24  }
0xea: {  	v27 =	vadd.s32 v22, v32;
	v28 =	vor.u32 v29, v26;
	v29 =	vand.u32 $0x38, v33  }
.Ltmp2:
0xeb: {  	v21 =	vadd.f32 v16, v21;
	v26 =	vadd.s32 v8, v28;
	v32 =	vadd.s32 v9, v28;
	(pc) =	sbr.rel @p0 .LBB2_7-.Ltmp2, $4  }
0xec: {  	v39 =	vadd.f32 v31, v39;
	v28 =	vand.u32 $0x7, v24;
	v24 =	vor.u32 v30, v29  }
0xed: {  	v16 =	vor.u32 v28, v32;
	v31 =	vadd.s32 v8, v24;
	[tilespmem:s25+$0xFFFFFFF0] =	vst v21;
	v21 =	vmul.f32 v25, v6  }
0xee: {  	v30 =	vor.u32 v36, v37;
	v32 =	vand.u32 $0x7, v33;
	v33 =	vadd.s32 v9, v24;
	v24 =	vld.idx.msk [tilespmem:v40+s24+$0x0], $0xffff  }
0xef: {  	v17 =	vadd.f32 v34, v17;
	v29 =	vmul.f32 v35, v7;
	v25 =	vor.u32 v41, v38;
	[tilespmem:s25+$0x0] =	vst v39  }
0xf0: {  	_ = 	snop  }
0xf1: {  	v31 =	vor.u32 v32, v31  }
0xf2: {  	v20 =	vor.u32 v10, v20  }
0xf3: {  	v27 =	vor.u32 v18, v27  }
0xf4: {  	v26 =	vor.u32 v28, v26;
	v15 =	vadd.s32 v9, v15;
	v45 =	vld.idx.msk [tilespmem:v30+s24+$0x0], $0xffff  }
0xf5: {  	v46 =	vor.u32 v32, v33;
	v8 =	vadd.s32 v8, v25;
	v14 =	vand.u32 $0x7, v14;
	v16 =	vld.idx.msk [tilespmem:v16+s24+$0x0], $0xffff  }
0xf6: {  	v22 =	vadd.s32 v22, v15;
	v8 =	vor.u32 v14, v8;
	v31 =	vld.idx.msk [tilespmem:v31+s24+$0x0], $0xffff  }
0xf7: {  	v12 =	vadd.s32 v15, v12;
	v47 =	vor.u32 v18, v22;
	v48 =	vld.idx.msk [tilespmem:v20+s24+$0x0], $0xffff  }
0xf8: {  	v51 =	vadd.s32 v9, v25;
	v50 =	vor.u32 v10, v12;
	v49 =	vld.idx.msk [tilespmem:v27+s24+$0x0], $0xffff  }
0xf9: {  	v9 =	vor.u32 v14, v51;
	v52 =	vld.idx.msk [tilespmem:v26+s24+$0x0], $0xffff  }
0xfa: {  	v53 =	vld.idx.msk [tilespmem:v46+s24+$0x0], $0xffff  }
0xfb: {  	v8 =	vld.idx.msk [tilespmem:v8+s24+$0x0], $0xffff  }
0xfc: {  	v54 =	vmul.f32 v23, v7;
	v18 =	vld.idx.msk [tilespmem:v47+s24+$0x0], $0xffff  }
0xfd: {  	v55 =	vmul.f32 v19, v7;
	[tilespmem:s28+$0x10] =	vst v17;
	v13 =	vadd.f32 v29, v13;
	v10 =	vld.idx.msk [tilespmem:v50+s24+$0x0], $0xffff  }
0xfe: {  	v11 =	vadd.f32 v54, v11;
	v58 =	vmul.f32 v24, v6;
	v59 =	vmul.f32 v45, v7;
	v9 =	vld.idx.msk [tilespmem:v9+s24+$0x0], $0xffff  }
0xff: {  	v56 =	vadd.f32 v55, v21;
	[tilespmem:s28+$0xFFFFFFD0] =	vst v13;
	v16 =	vmul.f32 v16, v7;
	v12 =	vmul.f32 v52, v6  }
0x100: {  	[tilespmem:s28+$0xFFFFFFE0] =	vst v11;
	v11 =	vadd.f32 v59, v58;
	v14 =	vmul.f32 v53, v7;
	v57 =	vmul.f32 v31, v6  }
0x101: {  	s0 =	sadd.s32 $0x60, s25;
	[tilespmem:s28+$0x20] =	vst v56;
	v60 =	vmul.f32 v49, v6;
	v12 =	vadd.f32 v16, v12;
	v61 =	vmul.f32 v18, v7  }
0x102: {  	[tilespmem:s0+$0x10] =	vst v11;
	v15 =	vmul.f32 v48, v6;
	v14 =	vadd.f32 v14, v57;
	v10 =	vmul.f32 v10, v7  }
0x103: {  	v6 =	vmul.f32 v8, v6;
	v7 =	vmul.f32 v9, v7;
	[tilespmem:s0+$0xFFFFFFF0] =	vst v12;
	v62 =	vadd.f32 v61, v60  }
0x104: {  	[tilespmem:s0+$0x0] =	vst v14;
	v63 =	vadd.f32 v10, v15  }
0x105: {  	v6 =	vadd.f32 v7, v6;
	[tilespmem:s0+$0xFFFFFFD0] =	vst v62  }
0x106: {  	[tilespmem:s0+$0xFFFFFFE0] =	vst v63  }
0x107: {  	s23 =	simm.s32 $0x14800;
	s25 =	smov.u32 s24;
	[tilespmem:s0+$0x20] =	vst v6  }
.LBB2_9:
0x108: {  	s0 =	sshll.u32 s25, $0x4  }
0x109: {  	v8 =	vld [tilespmem:s0+$0x1A720]  }
0x10a: {  	v9 =	vld [tilespmem:s0+$0x1A620];
	_ =	sdelay $0x3  }
0x10b: {  	s2 =	simm.s32 $0x7E0  }
0x10c: {  	v12 =	vadd.s32 s2, v9  }
0x10d: {  	s31 =	simm.s32 $0x120;
	v6 =	vld [tilespmem:s0+$0x1A840];
	v13 =	vadd.s32 s2, v8  }
0x10e: {  	v7 =	vld [tilespmem:s0+$0x1A940];
	v15 =	vadd.s32 s31, v9  }
0x10f: {  	s7 =	simm.s32 $0x240;
	v16 =	vadd.s32 s31, v8;
	v14 =	vld.idx.msk [tilespmem:v8+s18+$0x0], $0xffff  }
0x110: {  	v18 =	vadd.s32 s7, v9;
	v17 =	vld.idx.msk [tilespmem:v9+s18+$0x0], $0xffff  }
0x111: {  	s9 =	simm.s32 $0x360;
	v19 =	vadd.s32 s7, v8;
	v20 =	vld.idx.msk [tilespmem:v12+s18+$0x0], $0xffff  }
0x112: {  	s20 =	simm.s32 $0x480;
	v23 =	vadd.s32 s9, v8;
	v22 =	vld.idx.msk [tilespmem:v13+s18+$0x0], $0xffff  }
0x113: {  	v10 =	vadd.s32 $0x900, v8;
	v27 =	vadd.s32 s20, v8;
	v24 =	vld.idx.msk [tilespmem:v15+s18+$0x0], $0xffff  }
0x114: {  	s31 =	simm.s32 $0x6C0;
	v11 =	vadd.s32 s24, v10;
	v26 =	vld.idx.msk [tilespmem:v16+s18+$0x0], $0xffff  }
0x115: {  	v36 =	vadd.s32 s31, v8;
	v28 =	vld.idx.msk [tilespmem:v18+s18+$0x0], $0xffff  }
0x116: {  	s26 =	simm.s32 $0x5A0;
	v21 =	vadd.s32 s9, v9;
	v13 =	vld.idx.msk [tilespmem:v19+s18+$0x0], $0xffff  }
0x117: {  	s28 =	simm.s32 $0x900;
	v25 =	vadd.s32 s20, v9;
	v29 =	vadd.s32 s26, v9;
	v30 =	vadd.s32 s26, v8;
	s7 =	simm.s32 $0xA20;
	v15 =	vld.idx.msk [tilespmem:v23+s18+$0x0], $0xffff  }
0x118: {  	s9 =	simm.s32 $0x10E0;
	s20 =	simm.s32 $0xB40;
	v31 =	vadd.s32 s31, v9;
	v35 =	vadd.s32 s28, v10;
	v32 =	vadd.s32 s7, v9;
	v18 =	vld.idx.msk [tilespmem:v27+s18+$0x0], $0xffff  }
0x119: {  	v38 =	vadd.s32 s9, v9;
	v33 =	vadd.s32 s20, v9;
	v39 =	vadd.s32 s9, v8;
	v11 =	vld.idx.msk [tilespmem:v11+s18+$0x0], $0xffff  }
0x11a: {  	v12 =	vadd.s32 $0x900, v9;
	v36 =	vld.idx.msk [tilespmem:v36+s18+$0x0], $0xffff;
	v16 =	vmul.f32 v14, v7;
	v17 =	vmul.f32 v17, v6  }
0x11b: {  	v27 =	vadd.s32 s20, v8;
	v37 =	vadd.s32 s24, v12;
	v14 =	vld.idx.msk [tilespmem:v21+s18+$0x0], $0xffff;
	v20 =	vmul.f32 v20, v6  }
0x11c: {  	v22 =	vmul.f32 v22, v7;
	v17 =	vadd.f32 v16, v17;
	v16 =	vld.idx.msk [tilespmem:v25+s18+$0x0], $0xffff;
	v19 =	vmul.f32 v24, v6  }
0x11d: {  	s26 =	simm.s32 $0xD80;
	v34 =	vadd.s32 s28, v12;
	v21 =	vmul.f32 v26, v7;
	v23 =	vmul.f32 v28, v6;
	v26 =	vld.idx.msk [tilespmem:v30+s18+$0x0], $0xffff  }
0x11e: {  	s31 =	simm.s32 $0xEA0;
	v30 =	vld.idx.msk [tilespmem:v31+s18+$0x0], $0xffff;
	v24 =	vadd.s32 s26, v9;
	v25 =	vadd.s32 s26, v8;
	v20 =	vadd.f32 v22, v20  }
0x11f: {  	v11 =	vmul.f32 v11, v7;
	v22 =	vld.idx.msk [tilespmem:v29+s18+$0x0], $0xffff;
	v29 =	vadd.s32 s7, v8;
	s7 =	simm.s32 $0xC60;
	[tilespmem:s23+$0xFFFFFC00] =	vst v17;
	v17 =	vadd.s32 s31, v8  }
0x120: {  	s29 =	simm.s32 $0x8;
	s30 =	simm.s32 $0xFC0;
	s26 =	smov.u32 s23;
	v37 =	vld.idx.msk [tilespmem:v37+s18+$0x0], $0xffff;
	v31 =	vadd.s32 s7, v9;
	v28 =	vadd.s32 s7, v8;
	[tilespmem:s23+$0x300] =	vst v20;
	v20 =	vadd.s32 s31, v9  }
.LBB2_10:
0x121: {  	v35 =	vld.idx.msk [tilespmem:v35+s18+$0x0], $0xffff;
	v40 =	vadd.s32 s30, v9;
	v41 =	vadd.s32 s30, v8;
	v13 =	vmul.f32 v13, v7;
	v42 =	vmovc v34  }
0x122: {  	v19 =	vadd.f32 v21, v19;
	v14 =	vmul.f32 v14, v6;
	v15 =	vmul.f32 v15, v7;
	v34 =	vld.idx.msk [tilespmem:v38+s18+$0x0], $0xffff  }
0x123: {  	v21 =	vld.idx.msk [tilespmem:v39+s18+$0x0], $0xffff;
	v23 =	vadd.f32 v13, v23;
	v13 =	vmul.f32 v16, v6;
	v16 =	vmul.f32 v18, v7  }
0x124: {  	v15 =	vadd.f32 v15, v14;
	v14 =	vmul.f32 v22, v6;
	v22 =	vmul.f32 v26, v7;
	v18 =	vld.idx.msk [tilespmem:v32+s18+$0x0], $0xffff  }
0x125: {  	v26 =	vld.idx.msk [tilespmem:v29+s18+$0x0], $0xffff;
	v16 =	vadd.f32 v16, v13;
	v29 =	vmul.f32 v30, v6;
	v30 =	vmul.f32 v36, v7  }
0x126: {  	v32 =	vmul.f32 v37, v6;
	v22 =	vadd.f32 v22, v14;
	v33 =	vld.idx.msk [tilespmem:v33+s18+$0x0], $0xffff;
	[tilespmem:s26+$0xFFFFFD00] =	vst v19  }
0x127: {  	v19 =	vmul.f32 v35, v7;
	v13 =	vld.idx.msk [tilespmem:v27+s18+$0x0], $0xffff;
	[tilespmem:s26+$0xFFFFFE00] =	vst v23;
	v23 =	vadd.f32 v30, v29  }
0x128: {  	v30 =	vadd.f32 v11, v32;
	v14 =	vld.idx.msk [tilespmem:v31+s18+$0x0], $0xffff;
	[tilespmem:s26+$0xFFFFFF00] =	vst v15  }
0x129: {  	v27 =	vmul.f32 v34, v6;
	v11 =	vmov v19;
	v15 =	vld.idx.msk [tilespmem:v28+s18+$0x0], $0xffff;
	v28 =	vmul.f32 v21, v7;
	[tilespmem:s26+$0x0] =	vst v16  }
0x12a: {  	s28 =	sadd.s32 $0x900, s28;
	s29 =	sadd.s32 $0x8, s29;
	v19 =	vmul.f32 v18, v6;
	v16 =	vld.idx.msk [tilespmem:v24+s18+$0x0], $0xffff;
	[tilespmem:s26+$0x100] =	vst v22  }
0x12b: {  	s0 =	sadd.s32 $0x120, s28;
	p0 =	slt.u32 s29, $0x58;
	v21 =	vmul.f32 v26, v7;
	v18 =	vld.idx.msk [tilespmem:v25+s18+$0x0], $0xffff;
	v24 =	vadd.f32 v28, v27;
	[tilespmem:s26+$0x200] =	vst v23  }
.Ltmp3:
0x12c: {  	s2 =	sadd.s32 $0x7E0, s28;
	v35 =	vadd.s32 s28, v10;
	v34 =	vadd.s32 s28, v12;
	v23 =	vmul.f32 v33, v6;
	s26 =	sadd.s32 $0x800, s26;
	v22 =	vld.idx.msk [tilespmem:v20+s18+$0x0], $0xffff;
	(pc) =	sbr.rel @p0 .LBB2_10-.Ltmp3, $4  }
0x12d: {  	s7 =	sadd.s32 $0x360, s28;
	v38 =	vadd.s32 s2, v9;
	v32 =	vadd.s32 s0, v9;
	v29 =	vadd.s32 s0, v8;
	s0 =	sadd.s32 $0x240, s28;
	v26 =	vld.idx.msk [tilespmem:v17+s18+$0x0], $0xffff;
	[tilespmem:s26+$0x300] =	vst v24  }
0x12e: {  	s9 =	sadd.s32 $0x5A0, s28;
	v39 =	vadd.s32 s2, v8;
	v33 =	vadd.s32 s0, v9;
	v27 =	vadd.s32 s0, v8;
	s0 =	sadd.s32 $0x480, s28;
	[tilespmem:s26+$0xFFFFFC00] =	vst v30;
	v30 =	vld.idx.msk [tilespmem:v40+s18+$0x0], $0xffff  }
0x12f: {  	s30 =	sadd.s32 $0x6C0, s28;
	v31 =	vadd.s32 s7, v9;
	v28 =	vadd.s32 s7, v8;
	v24 =	vadd.s32 s0, v9;
	v36 =	vld.idx.msk [tilespmem:v41+s18+$0x0], $0xffff  }
0x130: {  	v25 =	vadd.s32 s0, v8;
	v20 =	vadd.s32 s9, v9;
	v17 =	vadd.s32 s9, v8;
	v37 =	vld.idx.msk [tilespmem:v42+s18+$0x0], $0xffff  }
0x131: {  	_ =	sdelay $0x3  }
0x132: {  	v10 =	vld.idx.msk [tilespmem:v38+s18+$0x0], $0xffff  }
0x133: {  	v12 =	vld.idx.msk [tilespmem:v39+s18+$0x0], $0xffff  }
0x134: {  	v32 =	vld.idx.msk [tilespmem:v32+s18+$0x0], $0xffff  }
0x135: {  	v29 =	vld.idx.msk [tilespmem:v29+s18+$0x0], $0xffff  }
0x136: {  	v33 =	vld.idx.msk [tilespmem:v33+s18+$0x0], $0xffff  }
0x137: {  	v27 =	vld.idx.msk [tilespmem:v27+s18+$0x0], $0xffff  }
0x138: {  	v13 =	vmul.f32 v13, v7;
	v9 =	vadd.s32 s30, v9;
	v42 =	vld.idx.msk [tilespmem:v31+s18+$0x0], $0xffff  }
0x139: {  	v14 =	vmul.f32 v14, v6;
	v15 =	vmul.f32 v15, v7;
	v19 =	vadd.f32 v21, v19;
	v43 =	vld.idx.msk [tilespmem:v28+s18+$0x0], $0xffff  }
0x13a: {  	v16 =	vmul.f32 v16, v6;
	v18 =	vmul.f32 v18, v7;
	v45 =	vld.idx.msk [tilespmem:v24+s18+$0x0], $0xffff;
	v13 =	vadd.f32 v13, v23  }
0x13b: {  	v8 =	vadd.s32 s30, v8;
	v22 =	vmul.f32 v22, v6;
	v48 =	vld.idx.msk [tilespmem:v25+s18+$0x0], $0xffff;
	v14 =	vadd.f32 v15, v14;
	[tilespmem:s26+$0xFFFFFD00] =	vst v19  }
0x13c: {  	v50 =	vld.idx.msk [tilespmem:v20+s18+$0x0], $0xffff;
	v44 =	vmul.f32 v26, v7;
	v16 =	vadd.f32 v18, v16;
	[tilespmem:s26+$0xFFFFFE00] =	vst v13  }
0x13d: {  	v51 =	vld.idx.msk [tilespmem:v17+s18+$0x0], $0xffff;
	v46 =	vmul.f32 v30, v6;
	v47 =	vmul.f32 v36, v7;
	[tilespmem:s26+$0xFFFFFF00] =	vst v14  }
0x13e: {  	v22 =	vadd.f32 v44, v22;
	v49 =	vmul.f32 v37, v6;
	[tilespmem:s26+$0x0] =	vst v16;
	v10 =	vmul.f32 v10, v6  }
0x13f: {  	v12 =	vmul.f32 v12, v7;
	v52 =	vadd.f32 v47, v46;
	v53 =	vmul.f32 v32, v6;
	v9 =	vld.idx.msk [tilespmem:v9+s18+$0x0], $0xffff  }
0x140: {  	[tilespmem:s26+$0x100] =	vst v22;
	v54 =	vmul.f32 v29, v7;
	v8 =	vld.idx.msk [tilespmem:v8+s18+$0x0], $0xffff;
	v11 =	vadd.f32 v11, v49  }
0x141: {  	s0 =	sadd.s32 $0x800, s26;
	v55 =	vmul.f32 v33, v6;
	v56 =	vmul.f32 v27, v7;
	v10 =	vadd.f32 v12, v10;
	[tilespmem:s26+$0x200] =	vst v52  }
0x142: {  	v58 =	vmul.f32 v42, v6;
	v15 =	vmul.f32 v43, v7;
	v57 =	vadd.f32 v54, v53;
	[tilespmem:s0+$0xFFFFFC00] =	vst v11  }
0x143: {  	s25 =	sadd.s32 $0x1, s25;
	v60 =	vmul.f32 v45, v6;
	v61 =	vmul.f32 v48, v7;
	v59 =	vadd.f32 v56, v55;
	[tilespmem:s0+$0x300] =	vst v10  }
0x144: {  	p0 =	sne.s32 s25, $0x10;
	v13 =	vmul.f32 v50, v6;
	v14 =	vmul.f32 v51, v7;
	v15 =	vadd.f32 v15, v58;
	[tilespmem:s0+$0xFFFFFD00] =	vst v57  }
.Ltmp4:
0x145: {  	v62 =	vadd.f32 v61, v60;
	[tilespmem:s0+$0xFFFFFE00] =	vst v59;
	v6 =	vmul.f32 v9, v6;
	v7 =	vmul.f32 v8, v7;
	(pc) =	sbr.rel @p0 .LBB2_9-.Ltmp4, $4  }
0x146: {  	v63 =	vadd.f32 v14, v13;
	[tilespmem:s0+$0xFFFFFF00] =	vst v15  }
0x147: {  	[tilespmem:s0+$0x0] =	vst v62;
	v6 =	vadd.f32 v7, v6  }
0x148: {  	[tilespmem:s0+$0x100] =	vst v63  }
0x149: {  	s23 =	sadd.s32 $0x10, s23;
	[tilespmem:s0+$0x200] =	vst v6  }
0x14a: {  	s0 =	smul.u32 $0x6000, s22;
	_ =	sdelay $0x1  }
0x14b: {  	s21 =	sadd.s32 $0x1, s21;
	s0 =	sadd.s32 s8, s0  }
0x14c: {  	p0 =	sne.s32 s21, $0x8;
	s0 =	sshrl.u32 s0, $0x3  }
.Ltmp5:
0x14d: {  	s0 =	sadd.s32 s1, s0;
	(pc) =	sbr.rel @p0 .LBB2_2-.Ltmp5, $4  }
0x14e: {  	[hbm4b:s0+s3] =	stream.linear.scatter [tilespmem:s19], [sflag:$0x1], $0x6000, $0x38;
	[tilespmem:$0x1AA40] =	vst v63  }
0x14f: {  	_ =	swait.ge [sflag:s11], $0x6000  }
0x150: {  	[sflag:s11] =	ssyncset.done $0x0  }
0x151: {  	[sflag:s11] =	ssyncadd.s32 $0xFFFFA000  }
0x152: {  	s2 =	rddreg [dreg:$0x5]  }
0x153: {  	s0 =	rddreg [dreg:$0x4];
	s2 =	sadd.s32 $0x1, s2  }
0x154: {  	p0 =	sne.s32 s2, s0  }
.Ltmp6:
0x155: {  	_ = 	snop;
	(pc) =	sbr.rel @p0 .LBB2_1-.Ltmp6, $1  }
0x156: {  	_ =	sdelay $0x3  }
0x157: {  	_ =	sfence.sel $0x180000  }
0x158: {  	[bflag:$0x0] =	sbarrier.arrive $0xFFFF  }
0x159: {  	_ =	strace $0x90000047  }
0x15a: {  	s0 =	stileid.u32;
	[bflag:$0x2] =	sbarrier.arrive $0xFFFF  }
0x15b: {  	p0 =	sne.s32 s0, $0x0;
	s0 =	rddreg [dreg:$0x2]  }
0x15c: {  	s0 =	sadd.s32 @!p0 $0x100000, s0  }
0x15d: {  	[sflag:s0] =	ssyncadd.tile.s32 @!p0 $0x1;
	_ =	shalt  }
.Lfunc_end2:
_tile_overlayer_lowered:
.L_overlay_start_2:
0x15e: {  	(tag) =	ssettag $0x2  }
0x15f: {  	s0 =	rddreg [dreg:$0x0];
	s2 =	stileid.u32  }
0x160: {  	s1 =	rddreg [dreg:$0x1];
	p0 =	sne.s32 s2, $0x0  }
0x161: {  	s3 =	rddreg [dreg:$0x2];
	[bflag:$0x3] =	sbarrier.arrive $0xFFFF;
	s2 =	simm.s32 @!p0 $0x1C01  }
0x162: {  	[timem:s3], [sflag:s2] =	dma.local @!p0 [hbm:s0], s1  }
0x163: {  	s0 =	simm.s32 @!p0 $0x1  }
0x164: {  	_ =	swait.ge @!p0 [sflag:s0], s1  }
0x165: {  	s1 =	ssub.s32 @!p0 $0x0, s1;
	[sflag:s0] =	ssyncset.done @!p0 $0x0  }
0x166: {  	[sflag:s0] =	ssyncadd.s32 @!p0 s1  }
0x167: {  	[bflag:$0x3] =	sbarrier.arrive $0xFFFF  }
0x168: {  	_ =	shalt  }

</sc_bundles>
